<compile_context>
chip_gen: v7x
topology: tpu7x:2x2x1
jax: 0.10.2.dev20260603
libtpu: 0.0.44.dev20260713+nightly
codegen_flags: <defaults>
</compile_context>

<pallas_src>
import functools

import jax
import jax.numpy as jnp
from jax import lax
from jax.experimental import pallas as pl
from jax.experimental.pallas import tpu as pltpu
from jax.experimental.pallas import tpu_sc as plsc

NC = 2
NS = 16
NW = NC * NS
LANES = 16
K = 100


def _sc_gather_sum(idx3, table, dummy, L, D):
    chunks = idx3.shape[1]
    mesh = plsc.VectorSubcoreMesh(core_axis_name="c", subcore_axis_name="s")

    nchain = 8
    rounds = chunks // nchain

    @functools.partial(
        pl.kernel,
        out_type=jax.ShapeDtypeStruct((NW, 2, K, D), jnp.float32),
        mesh=mesh,
        scratch_types=[
            pltpu.VMEM((chunks, K), jnp.int32),
            [pltpu.VMEM((K, D), jnp.float32)] * nchain,
            [pltpu.SemaphoreType.DMA] * nchain,
        ],
    )
    def sc_kernel(idx_hbm, table_hbm, dummy_hbm, out_hbm, idx_v, bufs, sems):
        wid = lax.axis_index("s") * NC + lax.axis_index("c")
        pltpu.sync_copy(idx_hbm.at[wid], idx_v)

        def chunk_idx(j, c):
            return idx_v.at[j * nchain + c]

        def wait(buf, sem):
            pltpu.make_async_copy(dummy_hbm, buf, sem).wait()

        for c in range(nchain):
            pltpu.async_copy(table_hbm.at[chunk_idx(0, c)], bufs[c], sems[c])

        def step(jj, carry):
            for c in range(nchain):
                wait(bufs[c], sems[c])
                pltpu.async_copy(
                    table_hbm.at[chunk_idx(jj, c)], bufs[c], sems[c], add=True)
            return carry

        lax.fori_loop(1, rounds, step, 0)
        for c in range(nchain):
            wait(bufs[c], sems[c])

        @plsc.parallel_loop(0, K, 1, unroll=4)
        def _merge(r):
            for c in range(D // LANES):
                sl = pl.ds(c * LANES, LANES)
                for src in range(2, nchain, 2):
                    plsc.addupdate(bufs[0].at[r, sl], bufs[src][r, sl])
                    plsc.addupdate(bufs[1].at[r, sl], bufs[src + 1][r, sl])

        pltpu.sync_copy(bufs[0], out_hbm.at[wid, 0])
        pltpu.sync_copy(bufs[1], out_hbm.at[wid, 1])

    return sc_kernel(idx3, table, dummy)


def _tc_project(partials, W, b, L, D, vocab):
    blk = 10240
    grid = pl.cdiv(vocab, blk)

    def body(p_ref, w_ref, b_ref, out_ref, s_ref):
        @pl.when(pl.program_id(0) == 0)
        def _():
            half = L // 2
            s_ref[pl.ds(0, half), :] = jnp.sum(p_ref[:, 0], axis=0)
            s_ref[pl.ds(half, half), :] = jnp.sum(p_ref[:, 1], axis=0)

        out_ref[...] = lax.dot_general(
            s_ref[...].astype(jnp.bfloat16), w_ref[...].astype(jnp.bfloat16),
            (((1,), (1,)), ((), ())),
            preferred_element_type=jnp.float32,
        ) + b_ref[...][None, :]

    return pl.pallas_call(
        body,
        grid=(grid,),
        in_specs=[
            pl.BlockSpec((NW, 2, L // 2, D), lambda i: (0, 0, 0, 0)),
            pl.BlockSpec((blk, D), lambda i: (i, 0)),
            pl.BlockSpec((blk,), lambda i: (i,)),
        ],
        out_specs=pl.BlockSpec((L, blk), lambda i: (0, i)),
        out_shape=jax.ShapeDtypeStruct((L, vocab), jnp.float32),
        scratch_shapes=[pltpu.VMEM((L, D), jnp.float32)],
    )(partials, W, b)


def kernel(inputs, emb_table, W, b):
    B, L = inputs.shape
    vocab, D = emb_table.shape
    chunks = B * L // (NW * K)
    idx3 = inputs.astype(jnp.int32).reshape(NW, chunks, K)
    dummy = jnp.zeros((K, D), jnp.float32)
    partials = _sc_gather_sum(idx3, emb_table, dummy, L, D)
    return _tc_project(partials, W, b, L, D, vocab)

# --- scband reference (transcript-rebuilt; emitter-appended) ---
"""Pipeline reference for scband-cbow-74972949119480 (READ-ONLY COPY).

The authoritative reference and input builder live on the scoring server;
editing this copy changes nothing except your own understanding.
"""

import jax, jax.numpy as jnp
import numpy as np

VOCAB = 100000
EMBED_DIM = 128
BATCH = 1024
CONTEXT = 200

def setup_inputs(seed: int = 0) -> dict:
    key = jax.random.key(seed)
    k1, k2, k3, k4 = jax.random.split(key, 4)
    inputs = jax.random.randint(k1, (BATCH, CONTEXT), 0, VOCAB, dtype=jnp.int64)
    emb_table = jax.random.normal(k2, (VOCAB, EMBED_DIM), dtype=jnp.float32)
    # torch.nn.Linear(embedding_dim, vocab_size): weight [vocab, embed_dim], bias [vocab]
    W = jax.random.normal(k3, (VOCAB, EMBED_DIM), dtype=jnp.float32) * (1.0 / np.sqrt(EMBED_DIM))
    b = jax.random.normal(k4, (VOCAB,), dtype=jnp.float32) * 0.01
    return {"inputs": inputs, "emb_table": emb_table, "W": W, "b": b}

def reference(inputs, emb_table, W, b):
    # embedding lookup: [B, L] -> [B, L, d]
    embeddings = jnp.take(emb_table, inputs, axis=0)
    # Python sum(tensor) iterates over dim 0 -> sum over batch dim: [L, d]
    sum_layer = jnp.sum(embeddings, axis=0)
    # linear: [L, d] @ [d, vocab] + [vocab] -> [L, vocab]
    target = sum_layer @ W.T + b
    return target

if __name__ == "__main__":
    import jax
    _d = setup_inputs()
    print(jax.jit(kernel)(*tuple(_d.values())))

</pallas_src>

<mosaic_0001>
#map = affine_map<(d0, d1) -> (0, 0, 0)>
#map1 = affine_map<(d0, d1) -> (0, 0)>
#map2 = affine_map<(d0, d1) -> (0, 0, 0, 0)>
module attributes {stable_mosaic.version = 14 : i64} {
  func.func @sc_kernel(%arg0: i32, %arg1: i32, %arg2: memref<32x64x100xi32, #tpu.memory_space<hbm>>, %arg3: memref<100000x128xf32, #tpu.memory_space<hbm>>, %arg4: memref<100x128xf32, #tpu.memory_space<hbm>>, %arg5: memref<32x2x100x128xf32, #tpu.memory_space<hbm>>, %arg6: memref<64x100xi32, #tpu.memory_space<vmem>>, %arg7: memref<100x128xf32, #tpu.memory_space<vmem>>, %arg8: memref<100x128xf32, #tpu.memory_space<vmem>>, %arg9: memref<100x128xf32, #tpu.memory_space<vmem>>, %arg10: memref<100x128xf32, #tpu.memory_space<vmem>>, %arg11: memref<100x128xf32, #tpu.memory_space<vmem>>, %arg12: memref<100x128xf32, #tpu.memory_space<vmem>>, %arg13: memref<100x128xf32, #tpu.memory_space<vmem>>, %arg14: memref<100x128xf32, #tpu.memory_space<vmem>>, %arg15: memref<!tpu.dma_semaphore, #tpu.memory_space<semaphore_mem>>, %arg16: memref<!tpu.dma_semaphore, #tpu.memory_space<semaphore_mem>>, %arg17: memref<!tpu.dma_semaphore, #tpu.memory_space<semaphore_mem>>, %arg18: memref<!tpu.dma_semaphore, #tpu.memory_space<semaphore_mem>>, %arg19: memref<!tpu.dma_semaphore, #tpu.memory_space<semaphore_mem>>, %arg20: memref<!tpu.dma_semaphore, #tpu.memory_space<semaphore_mem>>, %arg21: memref<!tpu.dma_semaphore, #tpu.memory_space<semaphore_mem>>, %arg22: memref<!tpu.dma_semaphore, #tpu.memory_space<semaphore_mem>>) attributes {dimension_semantics = [#tpu.dimension_semantics<core_parallel>, #tpu.dimension_semantics<subcore_parallel>], iteration_bounds = array<i64: 2, 16>, scalar_prefetch = 0 : i64, scratch_operands = 17 : i64, tpu.core_type = #tpu.core_type<sc_vector_subcore>, window_params = [{transform_indices = #map}, {transform_indices = #map1}, {transform_indices = #map1}, {transform_indices = #map2}]} {
    %mul3A = arith.constant 2 : i32
    %mul3A_0 = arith.muli %arg1, %mul3A : i32
    %add3A = arith.addi %mul3A_0, %arg0 : i32
    "tpu.region"() ({
      %run_scoped3A_64 = tpu.sem_alloc : memref<!tpu.dma_semaphore, #tpu.memory_space<semaphore_mem>>
      %dma_start3A_65 = arith.constant 0 : i32
      %dma_start3A_66 = arith.constant 0 : i32
      %dma_start3A_67 = tpu.memref_slice %arg2[%add3A, %dma_start3A_65, %dma_start3A_66] : memref<32x64x100xi32, #tpu.memory_space<hbm>> -> memref<1x64x100xi32, #tpu.memory_space<hbm>>
      %dma_start3A_68 = tpu.memref_squeeze %dma_start3A_67 : memref<1x64x100xi32, #tpu.memory_space<hbm>> -> memref<64x100xi32, #tpu.memory_space<hbm>>
      %dma_start3A_69 = arith.constant 0 : i32
      %dma_start3A_70 = arith.constant 0 : i32
      %dma_start3A_71 = tpu.memref_slice %arg2[%add3A, %dma_start3A_69, %dma_start3A_70] : memref<32x64x100xi32, #tpu.memory_space<hbm>> -> memref<1x64x100xi32, #tpu.memory_space<hbm>>
      %dma_start3A_72 = tpu.memref_squeeze %dma_start3A_71 : memref<1x64x100xi32, #tpu.memory_space<hbm>> -> memref<64x100xi32, #tpu.memory_space<hbm>>
      tpu.enqueue_dma source(%dma_start3A_72 : memref<64x100xi32, #tpu.memory_space<hbm>>) target(%arg6 : memref<64x100xi32, #tpu.memory_space<vmem>>) target_semaphore(%run_scoped3A_64 : memref<!tpu.dma_semaphore, #tpu.memory_space<semaphore_mem>>)
      %dma_wait3A = arith.constant 0 : i32
      %dma_wait3A_73 = arith.constant 0 : i32
      %dma_wait3A_74 = tpu.memref_slice %arg2[%add3A, %dma_wait3A, %dma_wait3A_73] : memref<32x64x100xi32, #tpu.memory_space<hbm>> -> memref<1x64x100xi32, #tpu.memory_space<hbm>>
      %dma_wait3A_75 = tpu.memref_squeeze %dma_wait3A_74 : memref<1x64x100xi32, #tpu.memory_space<hbm>> -> memref<64x100xi32, #tpu.memory_space<hbm>>
      %dma_wait3A_76 = arith.constant 0 : i32
      %dma_wait3A_77 = arith.constant 0 : i32
      %dma_wait3A_78 = tpu.memref_slice %arg2[%add3A, %dma_wait3A_76, %dma_wait3A_77] : memref<32x64x100xi32, #tpu.memory_space<hbm>> -> memref<1x64x100xi32, #tpu.memory_space<hbm>>
      %dma_wait3A_79 = tpu.memref_squeeze %dma_wait3A_78 : memref<1x64x100xi32, #tpu.memory_space<hbm>> -> memref<64x100xi32, #tpu.memory_space<hbm>>
      tpu.wait_dma2 semaphore(%run_scoped3A_64 : memref<!tpu.dma_semaphore, #tpu.memory_space<semaphore_mem>>) src(%dma_wait3A_79 : memref<64x100xi32, #tpu.memory_space<hbm>>) dst(%arg6 : memref<64x100xi32, #tpu.memory_space<vmem>>)
      tpu.yield
    }) : () -> ()
    %dma_start3A = arith.constant 0 : i32
    %dma_start3A_1 = arith.constant 0 : i32
    %dma_start3A_2 = tpu.memref_slice %arg6[%dma_start3A, %dma_start3A_1] : memref<64x100xi32, #tpu.memory_space<vmem>> -> memref<1x100xi32, #tpu.memory_space<vmem>>
    %dma_start3A_3 = tpu.memref_squeeze %dma_start3A_2 : memref<1x100xi32, #tpu.memory_space<vmem>> -> memref<100xi32, #tpu.memory_space<vmem>>
    %dma_start3A_4 = arith.constant 0 : i32
    %dma_start3A_5 = arith.constant 0 : i32
    %dma_start3A_6 = tpu.memref_slice %arg3[%dma_start3A_4, %dma_start3A_5] : memref<100000x128xf32, #tpu.memory_space<hbm>> -> memref<100000x128xf32, #tpu.memory_space<hbm>>
    tpu.enqueue_indirect_dma source(%dma_start3A_6 : memref<100000x128xf32, #tpu.memory_space<hbm>>) target(%arg7 : memref<100x128xf32, #tpu.memory_space<vmem>>) offsets(%dma_start3A_3 : memref<100xi32, #tpu.memory_space<vmem>>) semaphore(%arg15 : memref<!tpu.dma_semaphore, #tpu.memory_space<semaphore_mem>>)
    %dma_start3A_7 = arith.constant 1 : i32
    %dma_start3A_8 = arith.constant 0 : i32
    %dma_start3A_9 = tpu.memref_slice %arg6[%dma_start3A_7, %dma_start3A_8] : memref<64x100xi32, #tpu.memory_space<vmem>> -> memref<1x100xi32, #tpu.memory_space<vmem>>
    %dma_start3A_10 = tpu.memref_squeeze %dma_start3A_9 : memref<1x100xi32, #tpu.memory_space<vmem>> -> memref<100xi32, #tpu.memory_space<vmem>>
    %dma_start3A_11 = arith.constant 0 : i32
    %dma_start3A_12 = arith.constant 0 : i32
    %dma_start3A_13 = tpu.memref_slice %arg3[%dma_start3A_11, %dma_start3A_12] : memref<100000x128xf32, #tpu.memory_space<hbm>> -> memref<100000x128xf32, #tpu.memory_space<hbm>>
    tpu.enqueue_indirect_dma source(%dma_start3A_13 : memref<100000x128xf32, #tpu.memory_space<hbm>>) target(%arg8 : memref<100x128xf32, #tpu.memory_space<vmem>>) offsets(%dma_start3A_10 : memref<100xi32, #tpu.memory_space<vmem>>) semaphore(%arg16 : memref<!tpu.dma_semaphore, #tpu.memory_space<semaphore_mem>>)
    %dma_start3A_14 = arith.constant 2 : i32
    %dma_start3A_15 = arith.constant 0 : i32
    %dma_start3A_16 = tpu.memref_slice %arg6[%dma_start3A_14, %dma_start3A_15] : memref<64x100xi32, #tpu.memory_space<vmem>> -> memref<1x100xi32, #tpu.memory_space<vmem>>
    %dma_start3A_17 = tpu.memref_squeeze %dma_start3A_16 : memref<1x100xi32, #tpu.memory_space<vmem>> -> memref<100xi32, #tpu.memory_space<vmem>>
    %dma_start3A_18 = arith.constant 0 : i32
    %dma_start3A_19 = arith.constant 0 : i32
    %dma_start3A_20 = tpu.memref_slice %arg3[%dma_start3A_18, %dma_start3A_19] : memref<100000x128xf32, #tpu.memory_space<hbm>> -> memref<100000x128xf32, #tpu.memory_space<hbm>>
    tpu.enqueue_indirect_dma source(%dma_start3A_20 : memref<100000x128xf32, #tpu.memory_space<hbm>>) target(%arg9 : memref<100x128xf32, #tpu.memory_space<vmem>>) offsets(%dma_start3A_17 : memref<100xi32, #tpu.memory_space<vmem>>) semaphore(%arg17 : memref<!tpu.dma_semaphore, #tpu.memory_space<semaphore_mem>>)
    %dma_start3A_21 = arith.constant 3 : i32
    %dma_start3A_22 = arith.constant 0 : i32
    %dma_start3A_23 = tpu.memref_slice %arg6[%dma_start3A_21, %dma_start3A_22] : memref<64x100xi32, #tpu.memory_space<vmem>> -> memref<1x100xi32, #tpu.memory_space<vmem>>
    %dma_start3A_24 = tpu.memref_squeeze %dma_start3A_23 : memref<1x100xi32, #tpu.memory_space<vmem>> -> memref<100xi32, #tpu.memory_space<vmem>>
    %dma_start3A_25 = arith.constant 0 : i32
    %dma_start3A_26 = arith.constant 0 : i32
    %dma_start3A_27 = tpu.memref_slice %arg3[%dma_start3A_25, %dma_start3A_26] : memref<100000x128xf32, #tpu.memory_space<hbm>> -> memref<100000x128xf32, #tpu.memory_space<hbm>>
    tpu.enqueue_indirect_dma source(%dma_start3A_27 : memref<100000x128xf32, #tpu.memory_space<hbm>>) target(%arg10 : memref<100x128xf32, #tpu.memory_space<vmem>>) offsets(%dma_start3A_24 : memref<100xi32, #tpu.memory_space<vmem>>) semaphore(%arg18 : memref<!tpu.dma_semaphore, #tpu.memory_space<semaphore_mem>>)
    %dma_start3A_28 = arith.constant 4 : i32
    %dma_start3A_29 = arith.constant 0 : i32
    %dma_start3A_30 = tpu.memref_slice %arg6[%dma_start3A_28, %dma_start3A_29] : memref<64x100xi32, #tpu.memory_space<vmem>> -> memref<1x100xi32, #tpu.memory_space<vmem>>
    %dma_start3A_31 = tpu.memref_squeeze %dma_start3A_30 : memref<1x100xi32, #tpu.memory_space<vmem>> -> memref<100xi32, #tpu.memory_space<vmem>>
    %dma_start3A_32 = arith.constant 0 : i32
    %dma_start3A_33 = arith.constant 0 : i32
    %dma_start3A_34 = tpu.memref_slice %arg3[%dma_start3A_32, %dma_start3A_33] : memref<100000x128xf32, #tpu.memory_space<hbm>> -> memref<100000x128xf32, #tpu.memory_space<hbm>>
    tpu.enqueue_indirect_dma source(%dma_start3A_34 : memref<100000x128xf32, #tpu.memory_space<hbm>>) target(%arg11 : memref<100x128xf32, #tpu.memory_space<vmem>>) offsets(%dma_start3A_31 : memref<100xi32, #tpu.memory_space<vmem>>) semaphore(%arg19 : memref<!tpu.dma_semaphore, #tpu.memory_space<semaphore_mem>>)
    %dma_start3A_35 = arith.constant 5 : i32
    %dma_start3A_36 = arith.constant 0 : i32
    %dma_start3A_37 = tpu.memref_slice %arg6[%dma_start3A_35, %dma_start3A_36] : memref<64x100xi32, #tpu.memory_space<vmem>> -> memref<1x100xi32, #tpu.memory_space<vmem>>
    %dma_start3A_38 = tpu.memref_squeeze %dma_start3A_37 : memref<1x100xi32, #tpu.memory_space<vmem>> -> memref<100xi32, #tpu.memory_space<vmem>>
    %dma_start3A_39 = arith.constant 0 : i32
    %dma_start3A_40 = arith.constant 0 : i32
    %dma_start3A_41 = tpu.memref_slice %arg3[%dma_start3A_39, %dma_start3A_40] : memref<100000x128xf32, #tpu.memory_space<hbm>> -> memref<100000x128xf32, #tpu.memory_space<hbm>>
    tpu.enqueue_indirect_dma source(%dma_start3A_41 : memref<100000x128xf32, #tpu.memory_space<hbm>>) target(%arg12 : memref<100x128xf32, #tpu.memory_space<vmem>>) offsets(%dma_start3A_38 : memref<100xi32, #tpu.memory_space<vmem>>) semaphore(%arg20 : memref<!tpu.dma_semaphore, #tpu.memory_space<semaphore_mem>>)
    %dma_start3A_42 = arith.constant 6 : i32
    %dma_start3A_43 = arith.constant 0 : i32
    %dma_start3A_44 = tpu.memref_slice %arg6[%dma_start3A_42, %dma_start3A_43] : memref<64x100xi32, #tpu.memory_space<vmem>> -> memref<1x100xi32, #tpu.memory_space<vmem>>
    %dma_start3A_45 = tpu.memref_squeeze %dma_start3A_44 : memref<1x100xi32, #tpu.memory_space<vmem>> -> memref<100xi32, #tpu.memory_space<vmem>>
    %dma_start3A_46 = arith.constant 0 : i32
    %dma_start3A_47 = arith.constant 0 : i32
    %dma_start3A_48 = tpu.memref_slice %arg3[%dma_start3A_46, %dma_start3A_47] : memref<100000x128xf32, #tpu.memory_space<hbm>> -> memref<100000x128xf32, #tpu.memory_space<hbm>>
    tpu.enqueue_indirect_dma source(%dma_start3A_48 : memref<100000x128xf32, #tpu.memory_space<hbm>>) target(%arg13 : memref<100x128xf32, #tpu.memory_space<vmem>>) offsets(%dma_start3A_45 : memref<100xi32, #tpu.memory_space<vmem>>) semaphore(%arg21 : memref<!tpu.dma_semaphore, #tpu.memory_space<semaphore_mem>>)
    %dma_start3A_49 = arith.constant 7 : i32
    %dma_start3A_50 = arith.constant 0 : i32
    %dma_start3A_51 = tpu.memref_slice %arg6[%dma_start3A_49, %dma_start3A_50] : memref<64x100xi32, #tpu.memory_space<vmem>> -> memref<1x100xi32, #tpu.memory_space<vmem>>
    %dma_start3A_52 = tpu.memref_squeeze %dma_start3A_51 : memref<1x100xi32, #tpu.memory_space<vmem>> -> memref<100xi32, #tpu.memory_space<vmem>>
    %dma_start3A_53 = arith.constant 0 : i32
    %dma_start3A_54 = arith.constant 0 : i32
    %dma_start3A_55 = tpu.memref_slice %arg3[%dma_start3A_53, %dma_start3A_54] : memref<100000x128xf32, #tpu.memory_space<hbm>> -> memref<100000x128xf32, #tpu.memory_space<hbm>>
    tpu.enqueue_indirect_dma source(%dma_start3A_55 : memref<100000x128xf32, #tpu.memory_space<hbm>>) target(%arg14 : memref<100x128xf32, #tpu.memory_space<vmem>>) offsets(%dma_start3A_52 : memref<100xi32, #tpu.memory_space<vmem>>) semaphore(%arg22 : memref<!tpu.dma_semaphore, #tpu.memory_space<semaphore_mem>>)
    %scan3A = arith.constant 0 : i32
    %scan3A_56 = arith.constant 1 : i32
    %scan3A_57 = arith.constant 7 : i32
    %scan3A_58 = arith.addi %scan3A_56, %scan3A_57 : i32
    %scan3A_59 = arith.constant 1 : i32
    scf.for %scan3A_64 = %scan3A_56 to %scan3A_58 step %scan3A_59  : i32 {
      tpu.wait_dma2 semaphore(%arg15 : memref<!tpu.dma_semaphore, #tpu.memory_space<semaphore_mem>>) src(%arg4 : memref<100x128xf32, #tpu.memory_space<hbm>>) dst(%arg7 : memref<100x128xf32, #tpu.memory_space<vmem>>)
      %mul3A_65 = arith.constant 8 : i32
      %mul3A_66 = arith.muli %scan3A_64, %mul3A_65 : i32
      %add3A_67 = arith.constant 0 : i32
      %add3A_68 = arith.addi %mul3A_66, %add3A_67 : i32
      %dma_start3A_69 = arith.constant 0 : i32
      %dma_start3A_70 = tpu.memref_slice %arg6[%add3A_68, %dma_start3A_69] : memref<64x100xi32, #tpu.memory_space<vmem>> -> memref<1x100xi32, #tpu.memory_space<vmem>>
      %dma_start3A_71 = tpu.memref_squeeze %dma_start3A_70 : memref<1x100xi32, #tpu.memory_space<vmem>> -> memref<100xi32, #tpu.memory_space<vmem>>
      %dma_start3A_72 = arith.constant 0 : i32
      %dma_start3A_73 = arith.constant 0 : i32
      %dma_start3A_74 = tpu.memref_slice %arg3[%dma_start3A_72, %dma_start3A_73] : memref<100000x128xf32, #tpu.memory_space<hbm>> -> memref<100000x128xf32, #tpu.memory_space<hbm>>
      tpu.enqueue_indirect_dma source(%dma_start3A_74 : memref<100000x128xf32, #tpu.memory_space<hbm>>) target(%arg7 : memref<100x128xf32, #tpu.memory_space<vmem>>) offsets(%dma_start3A_71 : memref<100xi32, #tpu.memory_space<vmem>>) semaphore(%arg15 : memref<!tpu.dma_semaphore, #tpu.memory_space<semaphore_mem>>) {add = true}
      tpu.wait_dma2 semaphore(%arg16 : memref<!tpu.dma_semaphore, #tpu.memory_space<semaphore_mem>>) src(%arg4 : memref<100x128xf32, #tpu.memory_space<hbm>>) dst(%arg8 : memref<100x128xf32, #tpu.memory_space<vmem>>)
      %mul3A_75 = arith.constant 8 : i32
      %mul3A_76 = arith.muli %scan3A_64, %mul3A_75 : i32
      %add3A_77 = arith.constant 1 : i32
      %add3A_78 = arith.addi %mul3A_76, %add3A_77 : i32
      %dma_start3A_79 = arith.constant 0 : i32
      %dma_start3A_80 = tpu.memref_slice %arg6[%add3A_78, %dma_start3A_79] : memref<64x100xi32, #tpu.memory_space<vmem>> -> memref<1x100xi32, #tpu.memory_space<vmem>>
      %dma_start3A_81 = tpu.memref_squeeze %dma_start3A_80 : memref<1x100xi32, #tpu.memory_space<vmem>> -> memref<100xi32, #tpu.memory_space<vmem>>
      %dma_start3A_82 = arith.constant 0 : i32
      %dma_start3A_83 = arith.constant 0 : i32
      %dma_start3A_84 = tpu.memref_slice %arg3[%dma_start3A_82, %dma_start3A_83] : memref<100000x128xf32, #tpu.memory_space<hbm>> -> memref<100000x128xf32, #tpu.memory_space<hbm>>
      tpu.enqueue_indirect_dma source(%dma_start3A_84 : memref<100000x128xf32, #tpu.memory_space<hbm>>) target(%arg8 : memref<100x128xf32, #tpu.memory_space<vmem>>) offsets(%dma_start3A_81 : memref<100xi32, #tpu.memory_space<vmem>>) semaphore(%arg16 : memref<!tpu.dma_semaphore, #tpu.memory_space<semaphore_mem>>) {add = true}
      tpu.wait_dma2 semaphore(%arg17 : memref<!tpu.dma_semaphore, #tpu.memory_space<semaphore_mem>>) src(%arg4 : memref<100x128xf32, #tpu.memory_space<hbm>>) dst(%arg9 : memref<100x128xf32, #tpu.memory_space<vmem>>)
      %mul3A_85 = arith.constant 8 : i32
      %mul3A_86 = arith.muli %scan3A_64, %mul3A_85 : i32
      %add3A_87 = arith.constant 2 : i32
      %add3A_88 = arith.addi %mul3A_86, %add3A_87 : i32
      %dma_start3A_89 = arith.constant 0 : i32
      %dma_start3A_90 = tpu.memref_slice %arg6[%add3A_88, %dma_start3A_89] : memref<64x100xi32, #tpu.memory_space<vmem>> -> memref<1x100xi32, #tpu.memory_space<vmem>>
      %dma_start3A_91 = tpu.memref_squeeze %dma_start3A_90 : memref<1x100xi32, #tpu.memory_space<vmem>> -> memref<100xi32, #tpu.memory_space<vmem>>
      %dma_start3A_92 = arith.constant 0 : i32
      %dma_start3A_93 = arith.constant 0 : i32
      %dma_start3A_94 = tpu.memref_slice %arg3[%dma_start3A_92, %dma_start3A_93] : memref<100000x128xf32, #tpu.memory_space<hbm>> -> memref<100000x128xf32, #tpu.memory_space<hbm>>
      tpu.enqueue_indirect_dma source(%dma_start3A_94 : memref<100000x128xf32, #tpu.memory_space<hbm>>) target(%arg9 : memref<100x128xf32, #tpu.memory_space<vmem>>) offsets(%dma_start3A_91 : memref<100xi32, #tpu.memory_space<vmem>>) semaphore(%arg17 : memref<!tpu.dma_semaphore, #tpu.memory_space<semaphore_mem>>) {add = true}
      tpu.wait_dma2 semaphore(%arg18 : memref<!tpu.dma_semaphore, #tpu.memory_space<semaphore_mem>>) src(%arg4 : memref<100x128xf32, #tpu.memory_space<hbm>>) dst(%arg10 : memref<100x128xf32, #tpu.memory_space<vmem>>)
      %mul3A_95 = arith.constant 8 : i32
      %mul3A_96 = arith.muli %scan3A_64, %mul3A_95 : i32
      %add3A_97 = arith.constant 3 : i32
      %add3A_98 = arith.addi %mul3A_96, %add3A_97 : i32
      %dma_start3A_99 = arith.constant 0 : i32
      %dma_start3A_100 = tpu.memref_slice %arg6[%add3A_98, %dma_start3A_99] : memref<64x100xi32, #tpu.memory_space<vmem>> -> memref<1x100xi32, #tpu.memory_space<vmem>>
      %dma_start3A_101 = tpu.memref_squeeze %dma_start3A_100 : memref<1x100xi32, #tpu.memory_space<vmem>> -> memref<100xi32, #tpu.memory_space<vmem>>
      %dma_start3A_102 = arith.constant 0 : i32
      %dma_start3A_103 = arith.constant 0 : i32
      %dma_start3A_104 = tpu.memref_slice %arg3[%dma_start3A_102, %dma_start3A_103] : memref<100000x128xf32, #tpu.memory_space<hbm>> -> memref<100000x128xf32, #tpu.memory_space<hbm>>
      tpu.enqueue_indirect_dma source(%dma_start3A_104 : memref<100000x128xf32, #tpu.memory_space<hbm>>) target(%arg10 : memref<100x128xf32, #tpu.memory_space<vmem>>) offsets(%dma_start3A_101 : memref<100xi32, #tpu.memory_space<vmem>>) semaphore(%arg18 : memref<!tpu.dma_semaphore, #tpu.memory_space<semaphore_mem>>) {add = true}
      tpu.wait_dma2 semaphore(%arg19 : memref<!tpu.dma_semaphore, #tpu.memory_space<semaphore_mem>>) src(%arg4 : memref<100x128xf32, #tpu.memory_space<hbm>>) dst(%arg11 : memref<100x128xf32, #tpu.memory_space<vmem>>)
      %mul3A_105 = arith.constant 8 : i32
      %mul3A_106 = arith.muli %scan3A_64, %mul3A_105 : i32
      %add3A_107 = arith.constant 4 : i32
      %add3A_108 = arith.addi %mul3A_106, %add3A_107 : i32
      %dma_start3A_109 = arith.constant 0 : i32
      %dma_start3A_110 = tpu.memref_slice %arg6[%add3A_108, %dma_start3A_109] : memref<64x100xi32, #tpu.memory_space<vmem>> -> memref<1x100xi32, #tpu.memory_space<vmem>>
      %dma_start3A_111 = tpu.memref_squeeze %dma_start3A_110 : memref<1x100xi32, #tpu.memory_space<vmem>> -> memref<100xi32, #tpu.memory_space<vmem>>
      %dma_start3A_112 = arith.constant 0 : i32
      %dma_start3A_113 = arith.constant 0 : i32
      %dma_start3A_114 = tpu.memref_slice %arg3[%dma_start3A_112, %dma_start3A_113] : memref<100000x128xf32, #tpu.memory_space<hbm>> -> memref<100000x128xf32, #tpu.memory_space<hbm>>
      tpu.enqueue_indirect_dma source(%dma_start3A_114 : memref<100000x128xf32, #tpu.memory_space<hbm>>) target(%arg11 : memref<100x128xf32, #tpu.memory_space<vmem>>) offsets(%dma_start3A_111 : memref<100xi32, #tpu.memory_space<vmem>>) semaphore(%arg19 : memref<!tpu.dma_semaphore, #tpu.memory_space<semaphore_mem>>) {add = true}
      tpu.wait_dma2 semaphore(%arg20 : memref<!tpu.dma_semaphore, #tpu.memory_space<semaphore_mem>>) src(%arg4 : memref<100x128xf32, #tpu.memory_space<hbm>>) dst(%arg12 : memref<100x128xf32, #tpu.memory_space<vmem>>)
      %mul3A_115 = arith.constant 8 : i32
      %mul3A_116 = arith.muli %scan3A_64, %mul3A_115 : i32
      %add3A_117 = arith.constant 5 : i32
      %add3A_118 = arith.addi %mul3A_116, %add3A_117 : i32
      %dma_start3A_119 = arith.constant 0 : i32
      %dma_start3A_120 = tpu.memref_slice %arg6[%add3A_118, %dma_start3A_119] : memref<64x100xi32, #tpu.memory_space<vmem>> -> memref<1x100xi32, #tpu.memory_space<vmem>>
      %dma_start3A_121 = tpu.memref_squeeze %dma_start3A_120 : memref<1x100xi32, #tpu.memory_space<vmem>> -> memref<100xi32, #tpu.memory_space<vmem>>
      %dma_start3A_122 = arith.constant 0 : i32
      %dma_start3A_123 = arith.constant 0 : i32
      %dma_start3A_124 = tpu.memref_slice %arg3[%dma_start3A_122, %dma_start3A_123] : memref<100000x128xf32, #tpu.memory_space<hbm>> -> memref<100000x128xf32, #tpu.memory_space<hbm>>
      tpu.enqueue_indirect_dma source(%dma_start3A_124 : memref<100000x128xf32, #tpu.memory_space<hbm>>) target(%arg12 : memref<100x128xf32, #tpu.memory_space<vmem>>) offsets(%dma_start3A_121 : memref<100xi32, #tpu.memory_space<vmem>>) semaphore(%arg20 : memref<!tpu.dma_semaphore, #tpu.memory_space<semaphore_mem>>) {add = true}
      tpu.wait_dma2 semaphore(%arg21 : memref<!tpu.dma_semaphore, #tpu.memory_space<semaphore_mem>>) src(%arg4 : memref<100x128xf32, #tpu.memory_space<hbm>>) dst(%arg13 : memref<100x128xf32, #tpu.memory_space<vmem>>)
      %mul3A_125 = arith.constant 8 : i32
      %mul3A_126 = arith.muli %scan3A_64, %mul3A_125 : i32
      %add3A_127 = arith.constant 6 : i32
      %add3A_128 = arith.addi %mul3A_126, %add3A_127 : i32
      %dma_start3A_129 = arith.constant 0 : i32
      %dma_start3A_130 = tpu.memref_slice %arg6[%add3A_128, %dma_start3A_129] : memref<64x100xi32, #tpu.memory_space<vmem>> -> memref<1x100xi32, #tpu.memory_space<vmem>>
      %dma_start3A_131 = tpu.memref_squeeze %dma_start3A_130 : memref<1x100xi32, #tpu.memory_space<vmem>> -> memref<100xi32, #tpu.memory_space<vmem>>
      %dma_start3A_132 = arith.constant 0 : i32
      %dma_start3A_133 = arith.constant 0 : i32
      %dma_start3A_134 = tpu.memref_slice %arg3[%dma_start3A_132, %dma_start3A_133] : memref<100000x128xf32, #tpu.memory_space<hbm>> -> memref<100000x128xf32, #tpu.memory_space<hbm>>
      tpu.enqueue_indirect_dma source(%dma_start3A_134 : memref<100000x128xf32, #tpu.memory_space<hbm>>) target(%arg13 : memref<100x128xf32, #tpu.memory_space<vmem>>) offsets(%dma_start3A_131 : memref<100xi32, #tpu.memory_space<vmem>>) semaphore(%arg21 : memref<!tpu.dma_semaphore, #tpu.memory_space<semaphore_mem>>) {add = true}
      tpu.wait_dma2 semaphore(%arg22 : memref<!tpu.dma_semaphore, #tpu.memory_space<semaphore_mem>>) src(%arg4 : memref<100x128xf32, #tpu.memory_space<hbm>>) dst(%arg14 : memref<100x128xf32, #tpu.memory_space<vmem>>)
      %mul3A_135 = arith.constant 8 : i32
      %mul3A_136 = arith.muli %scan3A_64, %mul3A_135 : i32
      %add3A_137 = arith.constant 7 : i32
      %add3A_138 = arith.addi %mul3A_136, %add3A_137 : i32
      %dma_start3A_139 = arith.constant 0 : i32
      %dma_start3A_140 = tpu.memref_slice %arg6[%add3A_138, %dma_start3A_139] : memref<64x100xi32, #tpu.memory_space<vmem>> -> memref<1x100xi32, #tpu.memory_space<vmem>>
      %dma_start3A_141 = tpu.memref_squeeze %dma_start3A_140 : memref<1x100xi32, #tpu.memory_space<vmem>> -> memref<100xi32, #tpu.memory_space<vmem>>
      %dma_start3A_142 = arith.constant 0 : i32
      %dma_start3A_143 = arith.constant 0 : i32
      %dma_start3A_144 = tpu.memref_slice %arg3[%dma_start3A_142, %dma_start3A_143] : memref<100000x128xf32, #tpu.memory_space<hbm>> -> memref<100000x128xf32, #tpu.memory_space<hbm>>
      tpu.enqueue_indirect_dma source(%dma_start3A_144 : memref<100000x128xf32, #tpu.memory_space<hbm>>) target(%arg14 : memref<100x128xf32, #tpu.memory_space<vmem>>) offsets(%dma_start3A_141 : memref<100xi32, #tpu.memory_space<vmem>>) semaphore(%arg22 : memref<!tpu.dma_semaphore, #tpu.memory_space<semaphore_mem>>) {add = true}
    }
    %scan3A_60 = arith.constant 7 : i32
    tpu.wait_dma2 semaphore(%arg15 : memref<!tpu.dma_semaphore, #tpu.memory_space<semaphore_mem>>) src(%arg4 : memref<100x128xf32, #tpu.memory_space<hbm>>) dst(%arg7 : memref<100x128xf32, #tpu.memory_space<vmem>>)
    tpu.wait_dma2 semaphore(%arg16 : memref<!tpu.dma_semaphore, #tpu.memory_space<semaphore_mem>>) src(%arg4 : memref<100x128xf32, #tpu.memory_space<hbm>>) dst(%arg8 : memref<100x128xf32, #tpu.memory_space<vmem>>)
    tpu.wait_dma2 semaphore(%arg17 : memref<!tpu.dma_semaphore, #tpu.memory_space<semaphore_mem>>) src(%arg4 : memref<100x128xf32, #tpu.memory_space<hbm>>) dst(%arg9 : memref<100x128xf32, #tpu.memory_space<vmem>>)
    tpu.wait_dma2 semaphore(%arg18 : memref<!tpu.dma_semaphore, #tpu.memory_space<semaphore_mem>>) src(%arg4 : memref<100x128xf32, #tpu.memory_space<hbm>>) dst(%arg10 : memref<100x128xf32, #tpu.memory_space<vmem>>)
    tpu.wait_dma2 semaphore(%arg19 : memref<!tpu.dma_semaphore, #tpu.memory_space<semaphore_mem>>) src(%arg4 : memref<100x128xf32, #tpu.memory_space<hbm>>) dst(%arg11 : memref<100x128xf32, #tpu.memory_space<vmem>>)
    tpu.wait_dma2 semaphore(%arg20 : memref<!tpu.dma_semaphore, #tpu.memory_space<semaphore_mem>>) src(%arg4 : memref<100x128xf32, #tpu.memory_space<hbm>>) dst(%arg12 : memref<100x128xf32, #tpu.memory_space<vmem>>)
    tpu.wait_dma2 semaphore(%arg21 : memref<!tpu.dma_semaphore, #tpu.memory_space<semaphore_mem>>) src(%arg4 : memref<100x128xf32, #tpu.memory_space<hbm>>) dst(%arg13 : memref<100x128xf32, #tpu.memory_space<vmem>>)
    tpu.wait_dma2 semaphore(%arg22 : memref<!tpu.dma_semaphore, #tpu.memory_space<semaphore_mem>>) src(%arg4 : memref<100x128xf32, #tpu.memory_space<hbm>>) dst(%arg14 : memref<100x128xf32, #tpu.memory_space<vmem>>)
    %parallel_loop3A = arith.constant 0 : i32
    %parallel_loop3A_61 = arith.constant 100 : i32
    %parallel_loop3A_62 = arith.constant 1 : i32
    scf.for %parallel_loop3A_64 = %parallel_loop3A to %parallel_loop3A_61 step %parallel_loop3A_62  : i32 {
      %parallel_loop3A_65 = arith.index_cast %parallel_loop3A_64 : i32 to index
      %parallel_loop3A_66 = arith.constant 0 : index
      %parallel_loop3A_67 = tpu.vector_load %arg9[%parallel_loop3A_65, %parallel_loop3A_66] {strides = array<i32>} : memref<100x128xf32, #tpu.memory_space<vmem>>, vector<1x16xf32>,
      %parallel_loop3A_68 = vector.shape_cast %parallel_loop3A_67 : vector<1x16xf32> to vector<16xf32>
      %parallel_loop3A_69 = arith.index_cast %parallel_loop3A_64 : i32 to index
      %parallel_loop3A_70 = arith.constant 0 : index
      %parallel_loop3A_71 = tpu.vector_load %arg7[%parallel_loop3A_69, %parallel_loop3A_70] {strides = array<i32>} : memref<100x128xf32, #tpu.memory_space<vmem>>, vector<1x16xf32>,
      %parallel_loop3A_72 = vector.shape_cast %parallel_loop3A_71 : vector<1x16xf32> to vector<16xf32>
      %parallel_loop3A_73 = vector.shape_cast %parallel_loop3A_68 : vector<16xf32> to vector<1x16xf32>
      tpu.vector_store %arg7[%parallel_loop3A_69, %parallel_loop3A_70], %parallel_loop3A_73 {add = true, strides = array<i32>} : memref<100x128xf32, #tpu.memory_space<vmem>>, vector<1x16xf32>,
      %parallel_loop3A_74 = arith.index_cast %parallel_loop3A_64 : i32 to index
      %parallel_loop3A_75 = arith.constant 0 : index
      %parallel_loop3A_76 = tpu.vector_load %arg10[%parallel_loop3A_74, %parallel_loop3A_75] {strides = array<i32>} : memref<100x128xf32, #tpu.memory_space<vmem>>, vector<1x16xf32>,
      %parallel_loop3A_77 = vector.shape_cast %parallel_loop3A_76 : vector<1x16xf32> to vector<16xf32>
      %parallel_loop3A_78 = arith.index_cast %parallel_loop3A_64 : i32 to index
      %parallel_loop3A_79 = arith.constant 0 : index
      %parallel_loop3A_80 = tpu.vector_load %arg8[%parallel_loop3A_78, %parallel_loop3A_79] {strides = array<i32>} : memref<100x128xf32, #tpu.memory_space<vmem>>, vector<1x16xf32>,
      %parallel_loop3A_81 = vector.shape_cast %parallel_loop3A_80 : vector<1x16xf32> to vector<16xf32>
      %parallel_loop3A_82 = vector.shape_cast %parallel_loop3A_77 : vector<16xf32> to vector<1x16xf32>
      tpu.vector_store %arg8[%parallel_loop3A_78, %parallel_loop3A_79], %parallel_loop3A_82 {add = true, strides = array<i32>} : memref<100x128xf32, #tpu.memory_space<vmem>>, vector<1x16xf32>,
      %parallel_loop3A_83 = arith.index_cast %parallel_loop3A_64 : i32 to index
      %parallel_loop3A_84 = arith.constant 0 : index
      %parallel_loop3A_85 = tpu.vector_load %arg11[%parallel_loop3A_83, %parallel_loop3A_84] {strides = array<i32>} : memref<100x128xf32, #tpu.memory_space<vmem>>, vector<1x16xf32>,
      %parallel_loop3A_86 = vector.shape_cast %parallel_loop3A_85 : vector<1x16xf32> to vector<16xf32>
      %parallel_loop3A_87 = arith.index_cast %parallel_loop3A_64 : i32 to index
      %parallel_loop3A_88 = arith.constant 0 : index
      %parallel_loop3A_89 = tpu.vector_load %arg7[%parallel_loop3A_87, %parallel_loop3A_88] {strides = array<i32>} : memref<100x128xf32, #tpu.memory_space<vmem>>, vector<1x16xf32>,
      %parallel_loop3A_90 = vector.shape_cast %parallel_loop3A_89 : vector<1x16xf32> to vector<16xf32>
      %parallel_loop3A_91 = vector.shape_cast %parallel_loop3A_86 : vector<16xf32> to vector<1x16xf32>
      tpu.vector_store %arg7[%parallel_loop3A_87, %parallel_loop3A_88], %parallel_loop3A_91 {add = true, strides = array<i32>} : memref<100x128xf32, #tpu.memory_space<vmem>>, vector<1x16xf32>,
      %parallel_loop3A_92 = arith.index_cast %parallel_loop3A_64 : i32 to index
      %parallel_loop3A_93 = arith.constant 0 : index
      %parallel_loop3A_94 = tpu.vector_load %arg12[%parallel_loop3A_92, %parallel_loop3A_93] {strides = array<i32>} : memref<100x128xf32, #tpu.memory_space<vmem>>, vector<1x16xf32>,
      %parallel_loop3A_95 = vector.shape_cast %parallel_loop3A_94 : vector<1x16xf32> to vector<16xf32>
      %parallel_loop3A_96 = arith.index_cast %parallel_loop3A_64 : i32 to index
      %parallel_loop3A_97 = arith.constant 0 : index
      %parallel_loop3A_98 = tpu.vector_load %arg8[%parallel_loop3A_96, %parallel_loop3A_97] {strides = array<i32>} : memref<100x128xf32, #tpu.memory_space<vmem>>, vector<1x16xf32>,
      %parallel_loop3A_99 = vector.shape_cast %parallel_loop3A_98 : vector<1x16xf32> to vector<16xf32>
      %parallel_loop3A_100 = vector.shape_cast %parallel_loop3A_95 : vector<16xf32> to vector<1x16xf32>
      tpu.vector_store %arg8[%parallel_loop3A_96, %parallel_loop3A_97], %parallel_loop3A_100 {add = true, strides = array<i32>} : memref<100x128xf32, #tpu.memory_space<vmem>>, vector<1x16xf32>,
      %parallel_loop3A_101 = arith.index_cast %parallel_loop3A_64 : i32 to index
      %parallel_loop3A_102 = arith.constant 0 : index
      %parallel_loop3A_103 = tpu.vector_load %arg13[%parallel_loop3A_101, %parallel_loop3A_102] {strides = array<i32>} : memref<100x128xf32, #tpu.memory_space<vmem>>, vector<1x16xf32>,
      %parallel_loop3A_104 = vector.shape_cast %parallel_loop3A_103 : vector<1x16xf32> to vector<16xf32>
      %parallel_loop3A_105 = arith.index_cast %parallel_loop3A_64 : i32 to index
      %parallel_loop3A_106 = arith.constant 0 : index
      %parallel_loop3A_107 = tpu.vector_load %arg7[%parallel_loop3A_105, %parallel_loop3A_106] {strides = array<i32>} : memref<100x128xf32, #tpu.memory_space<vmem>>, vector<1x16xf32>,
      %parallel_loop3A_108 = vector.shape_cast %parallel_loop3A_107 : vector<1x16xf32> to vector<16xf32>
      %parallel_loop3A_109 = vector.shape_cast %parallel_loop3A_104 : vector<16xf32> to vector<1x16xf32>
      tpu.vector_store %arg7[%parallel_loop3A_105, %parallel_loop3A_106], %parallel_loop3A_109 {add = true, strides = array<i32>} : memref<100x128xf32, #tpu.memory_space<vmem>>, vector<1x16xf32>,
      %parallel_loop3A_110 = arith.index_cast %parallel_loop3A_64 : i32 to index
      %parallel_loop3A_111 = arith.constant 0 : index
      %parallel_loop3A_112 = tpu.vector_load %arg14[%parallel_loop3A_110, %parallel_loop3A_111] {strides = array<i32>} : memref<100x128xf32, #tpu.memory_space<vmem>>, vector<1x16xf32>,
      %parallel_loop3A_113 = vector.shape_cast %parallel_loop3A_112 : vector<1x16xf32> to vector<16xf32>
      %parallel_loop3A_114 = arith.index_cast %parallel_loop3A_64 : i32 to index
      %parallel_loop3A_115 = arith.constant 0 : index
      %parallel_loop3A_116 = tpu.vector_load %arg8[%parallel_loop3A_114, %parallel_loop3A_115] {strides = array<i32>} : memref<100x128xf32, #tpu.memory_space<vmem>>, vector<1x16xf32>,
      %parallel_loop3A_117 = vector.shape_cast %parallel_loop3A_116 : vector<1x16xf32> to vector<16xf32>
      %parallel_loop3A_118 = vector.shape_cast %parallel_loop3A_113 : vector<16xf32> to vector<1x16xf32>
      tpu.vector_store %arg8[%parallel_loop3A_114, %parallel_loop3A_115], %parallel_loop3A_118 {add = true, strides = array<i32>} : memref<100x128xf32, #tpu.memory_space<vmem>>, vector<1x16xf32>,
      %parallel_loop3A_119 = arith.index_cast %parallel_loop3A_64 : i32 to index
      %parallel_loop3A_120 = arith.constant 16 : index
      %parallel_loop3A_121 = tpu.vector_load %arg9[%parallel_loop3A_119, %parallel_loop3A_120] {strides = array<i32>} : memref<100x128xf32, #tpu.memory_space<vmem>>, vector<1x16xf32>,
      %parallel_loop3A_122 = vector.shape_cast %parallel_loop3A_121 : vector<1x16xf32> to vector<16xf32>
      %parallel_loop3A_123 = arith.index_cast %parallel_loop3A_64 : i32 to index
      %parallel_loop3A_124 = arith.constant 16 : index
      %parallel_loop3A_125 = tpu.vector_load %arg7[%parallel_loop3A_123, %parallel_loop3A_124] {strides = array<i32>} : memref<100x128xf32, #tpu.memory_space<vmem>>, vector<1x16xf32>,
      %parallel_loop3A_126 = vector.shape_cast %parallel_loop3A_125 : vector<1x16xf32> to vector<16xf32>
      %parallel_loop3A_127 = vector.shape_cast %parallel_loop3A_122 : vector<16xf32> to vector<1x16xf32>
      tpu.vector_store %arg7[%parallel_loop3A_123, %parallel_loop3A_124], %parallel_loop3A_127 {add = true, strides = array<i32>} : memref<100x128xf32, #tpu.memory_space<vmem>>, vector<1x16xf32>,
      %parallel_loop3A_128 = arith.index_cast %parallel_loop3A_64 : i32 to index
      %parallel_loop3A_129 = arith.constant 16 : index
      %parallel_loop3A_130 = tpu.vector_load %arg10[%parallel_loop3A_128, %parallel_loop3A_129] {strides = array<i32>} : memref<100x128xf32, #tpu.memory_space<vmem>>, vector<1x16xf32>,
      %parallel_loop3A_131 = vector.shape_cast %parallel_loop3A_130 : vector<1x16xf32> to vector<16xf32>
      %parallel_loop3A_132 = arith.index_cast %parallel_loop3A_64 : i32 to index
      %parallel_loop3A_133 = arith.constant 16 : index
      %parallel_loop3A_134 = tpu.vector_load %arg8[%parallel_loop3A_132, %parallel_loop3A_133] {strides = array<i32>} : memref<100x128xf32, #tpu.memory_space<vmem>>, vector<1x16xf32>,
      %parallel_loop3A_135 = vector.shape_cast %parallel_loop3A_134 : vector<1x16xf32> to vector<16xf32>
      %parallel_loop3A_136 = vector.shape_cast %parallel_loop3A_131 : vector<16xf32> to vector<1x16xf32>
      tpu.vector_store %arg8[%parallel_loop3A_132, %parallel_loop3A_133], %parallel_loop3A_136 {add = true, strides = array<i32>} : memref<100x128xf32, #tpu.memory_space<vmem>>, vector<1x16xf32>,
      %parallel_loop3A_137 = arith.index_cast %parallel_loop3A_64 : i32 to index
      %parallel_loop3A_138 = arith.constant 16 : index
      %parallel_loop3A_139 = tpu.vector_load %arg11[%parallel_loop3A_137, %parallel_loop3A_138] {strides = array<i32>} : memref<100x128xf32, #tpu.memory_space<vmem>>, vector<1x16xf32>,
      %parallel_loop3A_140 = vector.shape_cast %parallel_loop3A_139 : vector<1x16xf32> to vector<16xf32>
      %parallel_loop3A_141 = arith.index_cast %parallel_loop3A_64 : i32 to index
      %parallel_loop3A_142 = arith.constant 16 : index
      %parallel_loop3A_143 = tpu.vector_load %arg7[%parallel_loop3A_141, %parallel_loop3A_142] {strides = array<i32>} : memref<100x128xf32, #tpu.memory_space<vmem>>, vector<1x16xf32>,
      %parallel_loop3A_144 = vector.shape_cast %parallel_loop3A_143 : vector<1x16xf32> to vector<16xf32>
      %parallel_loop3A_145 = vector.shape_cast %parallel_loop3A_140 : vector<16xf32> to vector<1x16xf32>
      tpu.vector_store %arg7[%parallel_loop3A_141, %parallel_loop3A_142], %parallel_loop3A_145 {add = true, strides = array<i32>} : memref<100x128xf32, #tpu.memory_space<vmem>>, vector<1x16xf32>,
      %parallel_loop3A_146 = arith.index_cast %parallel_loop3A_64 : i32 to index
      %parallel_loop3A_147 = arith.constant 16 : index
      %parallel_loop3A_148 = tpu.vector_load %arg12[%parallel_loop3A_146, %parallel_loop3A_147] {strides = array<i32>} : memref<100x128xf32, #tpu.memory_space<vmem>>, vector<1x16xf32>,
      %parallel_loop3A_149 = vector.shape_cast %parallel_loop3A_148 : vector<1x16xf32> to vector<16xf32>
      %parallel_loop3A_150 = arith.index_cast %parallel_loop3A_64 : i32 to index
      %parallel_loop3A_151 = arith.constant 16 : index
      %parallel_loop3A_152 = tpu.vector_load %arg8[%parallel_loop3A_150, %parallel_loop3A_151] {strides = array<i32>} : memref<100x128xf32, #tpu.memory_space<vmem>>, vector<1x16xf32>,
      %parallel_loop3A_153 = vector.shape_cast %parallel_loop3A_152 : vector<1x16xf32> to vector<16xf32>
      %parallel_loop3A_154 = vector.shape_cast %parallel_loop3A_149 : vector<16xf32> to vector<1x16xf32>
      tpu.vector_store %arg8[%parallel_loop3A_150, %parallel_loop3A_151], %parallel_loop3A_154 {add = true, strides = array<i32>} : memref<100x128xf32, #tpu.memory_space<vmem>>, vector<1x16xf32>,
      %parallel_loop3A_155 = arith.index_cast %parallel_loop3A_64 : i32 to index
      %parallel_loop3A_156 = arith.constant 16 : index
      %parallel_loop3A_157 = tpu.vector_load %arg13[%parallel_loop3A_155, %parallel_loop3A_156] {strides = array<i32>} : memref<100x128xf32, #tpu.memory_space<vmem>>, vector<1x16xf32>,
      %parallel_loop3A_158 = vector.shape_cast %parallel_loop3A_157 : vector<1x16xf32> to vector<16xf32>
      %parallel_loop3A_159 = arith.index_cast %parallel_loop3A_64 : i32 to index
      %parallel_loop3A_160 = arith.constant 16 : index
      %parallel_loop3A_161 = tpu.vector_load %arg7[%parallel_loop3A_159, %parallel_loop3A_160] {strides = array<i32>} : memref<100x128xf32, #tpu.memory_space<vmem>>, vector<1x16xf32>,
      %parallel_loop3A_162 = vector.shape_cast %parallel_loop3A_161 : vector<1x16xf32> to vector<16xf32>
      %parallel_loop3A_163 = vector.shape_cast %parallel_loop3A_158 : vector<16xf32> to vector<1x16xf32>
      tpu.vector_store %arg7[%parallel_loop3A_159, %parallel_loop3A_160], %parallel_loop3A_163 {add = true, strides = array<i32>} : memref<100x128xf32, #tpu.memory_space<vmem>>, vector<1x16xf32>,
      %parallel_loop3A_164 = arith.index_cast %parallel_loop3A_64 : i32 to index
      %parallel_loop3A_165 = arith.constant 16 : index
      %parallel_loop3A_166 = tpu.vector_load %arg14[%parallel_loop3A_164, %parallel_loop3A_165] {strides = array<i32>} : memref<100x128xf32, #tpu.memory_space<vmem>>, vector<1x16xf32>,
      %parallel_loop3A_167 = vector.shape_cast %parallel_loop3A_166 : vector<1x16xf32> to vector<16xf32>
      %parallel_loop3A_168 = arith.index_cast %parallel_loop3A_64 : i32 to index
      %parallel_loop3A_169 = arith.constant 16 : index
      %parallel_loop3A_170 = tpu.vector_load %arg8[%parallel_loop3A_168, %parallel_loop3A_169] {strides = array<i32>} : memref<100x128xf32, #tpu.memory_space<vmem>>, vector<1x16xf32>,
      %parallel_loop3A_171 = vector.shape_cast %parallel_loop3A_170 : vector<1x16xf32> to vector<16xf32>
      %parallel_loop3A_172 = vector.shape_cast %parallel_loop3A_167 : vector<16xf32> to vector<1x16xf32>
      tpu.vector_store %arg8[%parallel_loop3A_168, %parallel_loop3A_169], %parallel_loop3A_172 {add = true, strides = array<i32>} : memref<100x128xf32, #tpu.memory_space<vmem>>, vector<1x16xf32>,
      %parallel_loop3A_173 = arith.index_cast %parallel_loop3A_64 : i32 to index
      %parallel_loop3A_174 = arith.constant 32 : index
      %parallel_loop3A_175 = tpu.vector_load %arg9[%parallel_loop3A_173, %parallel_loop3A_174] {strides = array<i32>} : memref<100x128xf32, #tpu.memory_space<vmem>>, vector<1x16xf32>,
      %parallel_loop3A_176 = vector.shape_cast %parallel_loop3A_175 : vector<1x16xf32> to vector<16xf32>
      %parallel_loop3A_177 = arith.index_cast %parallel_loop3A_64 : i32 to index
      %parallel_loop3A_178 = arith.constant 32 : index
      %parallel_loop3A_179 = tpu.vector_load %arg7[%parallel_loop3A_177, %parallel_loop3A_178] {strides = array<i32>} : memref<100x128xf32, #tpu.memory_space<vmem>>, vector<1x16xf32>,
      %parallel_loop3A_180 = vector.shape_cast %parallel_loop3A_179 : vector<1x16xf32> to vector<16xf32>
      %parallel_loop3A_181 = vector.shape_cast %parallel_loop3A_176 : vector<16xf32> to vector<1x16xf32>
      tpu.vector_store %arg7[%parallel_loop3A_177, %parallel_loop3A_178], %parallel_loop3A_181 {add = true, strides = array<i32>} : memref<100x128xf32, #tpu.memory_space<vmem>>, vector<1x16xf32>,
      %parallel_loop3A_182 = arith.index_cast %parallel_loop3A_64 : i32 to index
      %parallel_loop3A_183 = arith.constant 32 : index
      %parallel_loop3A_184 = tpu.vector_load %arg10[%parallel_loop3A_182, %parallel_loop3A_183] {strides = array<i32>} : memref<100x128xf32, #tpu.memory_space<vmem>>, vector<1x16xf32>,
      %parallel_loop3A_185 = vector.shape_cast %parallel_loop3A_184 : vector<1x16xf32> to vector<16xf32>
      %parallel_loop3A_186 = arith.index_cast %parallel_loop3A_64 : i32 to index
      %parallel_loop3A_187 = arith.constant 32 : index
      %parallel_loop3A_188 = tpu.vector_load %arg8[%parallel_loop3A_186, %parallel_loop3A_187] {strides = array<i32>} : memref<100x128xf32, #tpu.memory_space<vmem>>, vector<1x16xf32>,
      %parallel_loop3A_189 = vector.shape_cast %parallel_loop3A_188 : vector<1x16xf32> to vector<16xf32>
      %parallel_loop3A_190 = vector.shape_cast %parallel_loop3A_185 : vector<16xf32> to vector<1x16xf32>
      tpu.vector_store %arg8[%parallel_loop3A_186, %parallel_loop3A_187], %parallel_loop3A_190 {add = true, strides = array<i32>} : memref<100x128xf32, #tpu.memory_space<vmem>>, vector<1x16xf32>,
      %parallel_loop3A_191 = arith.index_cast %parallel_loop3A_64 : i32 to index
      %parallel_loop3A_192 = arith.constant 32 : index
      %parallel_loop3A_193 = tpu.vector_load %arg11[%parallel_loop3A_191, %parallel_loop3A_192] {strides = array<i32>} : memref<100x128xf32, #tpu.memory_space<vmem>>, vector<1x16xf32>,
      %parallel_loop3A_194 = vector.shape_cast %parallel_loop3A_193 : vector<1x16xf32> to vector<16xf32>
      %parallel_loop3A_195 = arith.index_cast %parallel_loop3A_64 : i32 to index
      %parallel_loop3A_196 = arith.constant 32 : index
      %parallel_loop3A_197 = tpu.vector_load %arg7[%parallel_loop3A_195, %parallel_loop3A_196] {strides = array<i32>} : memref<100x128xf32, #tpu.memory_space<vmem>>, vector<1x16xf32>,
      %parallel_loop3A_198 = vector.shape_cast %parallel_loop3A_197 : vector<1x16xf32> to vector<16xf32>
      %parallel_loop3A_199 = vector.shape_cast %parallel_loop3A_194 : vector<16xf32> to vector<1x16xf32>
      tpu.vector_store %arg7[%parallel_loop3A_195, %parallel_loop3A_196], %parallel_loop3A_199 {add = true, strides = array<i32>} : memref<100x128xf32, #tpu.memory_space<vmem>>, vector<1x16xf32>,
      %parallel_loop3A_200 = arith.index_cast %parallel_loop3A_64 : i32 to index
      %parallel_loop3A_201 = arith.constant 32 : index
      %parallel_loop3A_202 = tpu.vector_load %arg12[%parallel_loop3A_200, %parallel_loop3A_201] {strides = array<i32>} : memref<100x128xf32, #tpu.memory_space<vmem>>, vector<1x16xf32>,
      %parallel_loop3A_203 = vector.shape_cast %parallel_loop3A_202 : vector<1x16xf32> to vector<16xf32>
      %parallel_loop3A_204 = arith.index_cast %parallel_loop3A_64 : i32 to index
      %parallel_loop3A_205 = arith.constant 32 : index
      %parallel_loop3A_206 = tpu.vector_load %arg8[%parallel_loop3A_204, %parallel_loop3A_205] {strides = array<i32>} : memref<100x128xf32, #tpu.memory_space<vmem>>, vector<1x16xf32>,
      %parallel_loop3A_207 = vector.shape_cast %parallel_loop3A_206 : vector<1x16xf32> to vector<16xf32>
      %parallel_loop3A_208 = vector.shape_cast %parallel_loop3A_203 : vector<16xf32> to vector<1x16xf32>
      tpu.vector_store %arg8[%parallel_loop3A_204, %parallel_loop3A_205], %parallel_loop3A_208 {add = true, strides = array<i32>} : memref<100x128xf32, #tpu.memory_space<vmem>>, vector<1x16xf32>,
      %parallel_loop3A_209 = arith.index_cast %parallel_loop3A_64 : i32 to index
      %parallel_loop3A_210 = arith.constant 32 : index
      %parallel_loop3A_211 = tpu.vector_load %arg13[%parallel_loop3A_209, %parallel_loop3A_210] {strides = array<i32>} : memref<100x128xf32, #tpu.memory_space<vmem>>, vector<1x16xf32>,
      %parallel_loop3A_212 = vector.shape_cast %parallel_loop3A_211 : vector<1x16xf32> to vector<16xf32>
      %parallel_loop3A_213 = arith.index_cast %parallel_loop3A_64 : i32 to index
      %parallel_loop3A_214 = arith.constant 32 : index
      %parallel_loop3A_215 = tpu.vector_load %arg7[%parallel_loop3A_213, %parallel_loop3A_214] {strides = array<i32>} : memref<100x128xf32, #tpu.memory_space<vmem>>, vector<1x16xf32>,
      %parallel_loop3A_216 = vector.shape_cast %parallel_loop3A_215 : vector<1x16xf32> to vector<16xf32>
      %parallel_loop3A_217 = vector.shape_cast %parallel_loop3A_212 : vector<16xf32> to vector<1x16xf32>
      tpu.vector_store %arg7[%parallel_loop3A_213, %parallel_loop3A_214], %parallel_loop3A_217 {add = true, strides = array<i32>} : memref<100x128xf32, #tpu.memory_space<vmem>>, vector<1x16xf32>,
      %parallel_loop3A_218 = arith.index_cast %parallel_loop3A_64 : i32 to index
      %parallel_loop3A_219 = arith.constant 32 : index
      %parallel_loop3A_220 = tpu.vector_load %arg14[%parallel_loop3A_218, %parallel_loop3A_219] {strides = array<i32>} : memref<100x128xf32, #tpu.memory_space<vmem>>, vector<1x16xf32>,
      %parallel_loop3A_221 = vector.shape_cast %parallel_loop3A_220 : vector<1x16xf32> to vector<16xf32>
      %parallel_loop3A_222 = arith.index_cast %parallel_loop3A_64 : i32 to index
      %parallel_loop3A_223 = arith.constant 32 : index
      %parallel_loop3A_224 = tpu.vector_load %arg8[%parallel_loop3A_222, %parallel_loop3A_223] {strides = array<i32>} : memref<100x128xf32, #tpu.memory_space<vmem>>, vector<1x16xf32>,
      %parallel_loop3A_225 = vector.shape_cast %parallel_loop3A_224 : vector<1x16xf32> to vector<16xf32>
      %parallel_loop3A_226 = vector.shape_cast %parallel_loop3A_221 : vector<16xf32> to vector<1x16xf32>
      tpu.vector_store %arg8[%parallel_loop3A_222, %parallel_loop3A_223], %parallel_loop3A_226 {add = true, strides = array<i32>} : memref<100x128xf32, #tpu.memory_space<vmem>>, vector<1x16xf32>,
      %parallel_loop3A_227 = arith.index_cast %parallel_loop3A_64 : i32 to index
      %parallel_loop3A_228 = arith.constant 48 : index
      %parallel_loop3A_229 = tpu.vector_load %arg9[%parallel_loop3A_227, %parallel_loop3A_228] {strides = array<i32>} : memref<100x128xf32, #tpu.memory_space<vmem>>, vector<1x16xf32>,
      %parallel_loop3A_230 = vector.shape_cast %parallel_loop3A_229 : vector<1x16xf32> to vector<16xf32>
      %parallel_loop3A_231 = arith.index_cast %parallel_loop3A_64 : i32 to index
      %parallel_loop3A_232 = arith.constant 48 : index
      %parallel_loop3A_233 = tpu.vector_load %arg7[%parallel_loop3A_231, %parallel_loop3A_232] {strides = array<i32>} : memref<100x128xf32, #tpu.memory_space<vmem>>, vector<1x16xf32>,
      %parallel_loop3A_234 = vector.shape_cast %parallel_loop3A_233 : vector<1x16xf32> to vector<16xf32>
      %parallel_loop3A_235 = vector.shape_cast %parallel_loop3A_230 : vector<16xf32> to vector<1x16xf32>
      tpu.vector_store %arg7[%parallel_loop3A_231, %parallel_loop3A_232], %parallel_loop3A_235 {add = true, strides = array<i32>} : memref<100x128xf32, #tpu.memory_space<vmem>>, vector<1x16xf32>,
      %parallel_loop3A_236 = arith.index_cast %parallel_loop3A_64 : i32 to index
      %parallel_loop3A_237 = arith.constant 48 : index
      %parallel_loop3A_238 = tpu.vector_load %arg10[%parallel_loop3A_236, %parallel_loop3A_237] {strides = array<i32>} : memref<100x128xf32, #tpu.memory_space<vmem>>, vector<1x16xf32>,
      %parallel_loop3A_239 = vector.shape_cast %parallel_loop3A_238 : vector<1x16xf32> to vector<16xf32>
      %parallel_loop3A_240 = arith.index_cast %parallel_loop3A_64 : i32 to index
      %parallel_loop3A_241 = arith.constant 48 : index
      %parallel_loop3A_242 = tpu.vector_load %arg8[%parallel_loop3A_240, %parallel_loop3A_241] {strides = array<i32>} : memref<100x128xf32, #tpu.memory_space<vmem>>, vector<1x16xf32>,
      %parallel_loop3A_243 = vector.shape_cast %parallel_loop3A_242 : vector<1x16xf32> to vector<16xf32>
      %parallel_loop3A_244 = vector.shape_cast %parallel_loop3A_239 : vector<16xf32> to vector<1x16xf32>
      tpu.vector_store %arg8[%parallel_loop3A_240, %parallel_loop3A_241], %parallel_loop3A_244 {add = true, strides = array<i32>} : memref<100x128xf32, #tpu.memory_space<vmem>>, vector<1x16xf32>,
      %parallel_loop3A_245 = arith.index_cast %parallel_loop3A_64 : i32 to index
      %parallel_loop3A_246 = arith.constant 48 : index
      %parallel_loop3A_247 = tpu.vector_load %arg11[%parallel_loop3A_245, %parallel_loop3A_246] {strides = array<i32>} : memref<100x128xf32, #tpu.memory_space<vmem>>, vector<1x16xf32>,
      %parallel_loop3A_248 = vector.shape_cast %parallel_loop3A_247 : vector<1x16xf32> to vector<16xf32>
      %parallel_loop3A_249 = arith.index_cast %parallel_loop3A_64 : i32 to index
      %parallel_loop3A_250 = arith.constant 48 : index
      %parallel_loop3A_251 = tpu.vector_load %arg7[%parallel_loop3A_249, %parallel_loop3A_250] {strides = array<i32>} : memref<100x128xf32, #tpu.memory_space<vmem>>, vector<1x16xf32>,
      %parallel_loop3A_252 = vector.shape_cast %parallel_loop3A_251 : vector<1x16xf32> to vector<16xf32>
      %parallel_loop3A_253 = vector.shape_cast %parallel_loop3A_248 : vector<16xf32> to vector<1x16xf32>
      tpu.vector_store %arg7[%parallel_loop3A_249, %parallel_loop3A_250], %parallel_loop3A_253 {add = true, strides = array<i32>} : memref<100x128xf32, #tpu.memory_space<vmem>>, vector<1x16xf32>,
      %parallel_loop3A_254 = arith.index_cast %parallel_loop3A_64 : i32 to index
      %parallel_loop3A_255 = arith.constant 48 : index
      %parallel_loop3A_256 = tpu.vector_load %arg12[%parallel_loop3A_254, %parallel_loop3A_255] {strides = array<i32>} : memref<100x128xf32, #tpu.memory_space<vmem>>, vector<1x16xf32>,
      %parallel_loop3A_257 = vector.shape_cast %parallel_loop3A_256 : vector<1x16xf32> to vector<16xf32>
      %parallel_loop3A_258 = arith.index_cast %parallel_loop3A_64 : i32 to index
      %parallel_loop3A_259 = arith.constant 48 : index
      %parallel_loop3A_260 = tpu.vector_load %arg8[%parallel_loop3A_258, %parallel_loop3A_259] {strides = array<i32>} : memref<100x128xf32, #tpu.memory_space<vmem>>, vector<1x16xf32>,
      %parallel_loop3A_261 = vector.shape_cast %parallel_loop3A_260 : vector<1x16xf32> to vector<16xf32>
      %parallel_loop3A_262 = vector.shape_cast %parallel_loop3A_257 : vector<16xf32> to vector<1x16xf32>
      tpu.vector_store %arg8[%parallel_loop3A_258, %parallel_loop3A_259], %parallel_loop3A_262 {add = true, strides = array<i32>} : memref<100x128xf32, #tpu.memory_space<vmem>>, vector<1x16xf32>,
      %parallel_loop3A_263 = arith.index_cast %parallel_loop3A_64 : i32 to index
      %parallel_loop3A_264 = arith.constant 48 : index
      %parallel_loop3A_265 = tpu.vector_load %arg13[%parallel_loop3A_263, %parallel_loop3A_264] {strides = array<i32>} : memref<100x128xf32, #tpu.memory_space<vmem>>, vector<1x16xf32>,
      %parallel_loop3A_266 = vector.shape_cast %parallel_loop3A_265 : vector<1x16xf32> to vector<16xf32>
      %parallel_loop3A_267 = arith.index_cast %parallel_loop3A_64 : i32 to index
      %parallel_loop3A_268 = arith.constant 48 : index
      %parallel_loop3A_269 = tpu.vector_load %arg7[%parallel_loop3A_267, %parallel_loop3A_268] {strides = array<i32>} : memref<100x128xf32, #tpu.memory_space<vmem>>, vector<1x16xf32>,
      %parallel_loop3A_270 = vector.shape_cast %parallel_loop3A_269 : vector<1x16xf32> to vector<16xf32>
      %parallel_loop3A_271 = vector.shape_cast %parallel_loop3A_266 : vector<16xf32> to vector<1x16xf32>
      tpu.vector_store %arg7[%parallel_loop3A_267, %parallel_loop3A_268], %parallel_loop3A_271 {add = true, strides = array<i32>} : memref<100x128xf32, #tpu.memory_space<vmem>>, vector<1x16xf32>,
      %parallel_loop3A_272 = arith.index_cast %parallel_loop3A_64 : i32 to index
      %parallel_loop3A_273 = arith.constant 48 : index
      %parallel_loop3A_274 = tpu.vector_load %arg14[%parallel_loop3A_272, %parallel_loop3A_273] {strides = array<i32>} : memref<100x128xf32, #tpu.memory_space<vmem>>, vector<1x16xf32>,
      %parallel_loop3A_275 = vector.shape_cast %parallel_loop3A_274 : vector<1x16xf32> to vector<16xf32>
      %parallel_loop3A_276 = arith.index_cast %parallel_loop3A_64 : i32 to index
      %parallel_loop3A_277 = arith.constant 48 : index
      %parallel_loop3A_278 = tpu.vector_load %arg8[%parallel_loop3A_276, %parallel_loop3A_277] {strides = array<i32>} : memref<100x128xf32, #tpu.memory_space<vmem>>, vector<1x16xf32>,
      %parallel_loop3A_279 = vector.shape_cast %parallel_loop3A_278 : vector<1x16xf32> to vector<16xf32>
      %parallel_loop3A_280 = vector.shape_cast %parallel_loop3A_275 : vector<16xf32> to vector<1x16xf32>
      tpu.vector_store %arg8[%parallel_loop3A_276, %parallel_loop3A_277], %parallel_loop3A_280 {add = true, strides = array<i32>} : memref<100x128xf32, #tpu.memory_space<vmem>>, vector<1x16xf32>,
      %parallel_loop3A_281 = arith.index_cast %parallel_loop3A_64 : i32 to index
      %parallel_loop3A_282 = arith.constant 64 : index
      %parallel_loop3A_283 = tpu.vector_load %arg9[%parallel_loop3A_281, %parallel_loop3A_282] {strides = array<i32>} : memref<100x128xf32, #tpu.memory_space<vmem>>, vector<1x16xf32>,
      %parallel_loop3A_284 = vector.shape_cast %parallel_loop3A_283 : vector<1x16xf32> to vector<16xf32>
      %parallel_loop3A_285 = arith.index_cast %parallel_loop3A_64 : i32 to index
      %parallel_loop3A_286 = arith.constant 64 : index
      %parallel_loop3A_287 = tpu.vector_load %arg7[%parallel_loop3A_285, %parallel_loop3A_286] {strides = array<i32>} : memref<100x128xf32, #tpu.memory_space<vmem>>, vector<1x16xf32>,
      %parallel_loop3A_288 = vector.shape_cast %parallel_loop3A_287 : vector<1x16xf32> to vector<16xf32>
      %parallel_loop3A_289 = vector.shape_cast %parallel_loop3A_284 : vector<16xf32> to vector<1x16xf32>
      tpu.vector_store %arg7[%parallel_loop3A_285, %parallel_loop3A_286], %parallel_loop3A_289 {add = true, strides = array<i32>} : memref<100x128xf32, #tpu.memory_space<vmem>>, vector<1x16xf32>,
      %parallel_loop3A_290 = arith.index_cast %parallel_loop3A_64 : i32 to index
      %parallel_loop3A_291 = arith.constant 64 : index
      %parallel_loop3A_292 = tpu.vector_load %arg10[%parallel_loop3A_290, %parallel_loop3A_291] {strides = array<i32>} : memref<100x128xf32, #tpu.memory_space<vmem>>, vector<1x16xf32>,
      %parallel_loop3A_293 = vector.shape_cast %parallel_loop3A_292 : vector<1x16xf32> to vector<16xf32>
      %parallel_loop3A_294 = arith.index_cast %parallel_loop3A_64 : i32 to index
      %parallel_loop3A_295 = arith.constant 64 : index
      %parallel_loop3A_296 = tpu.vector_load %arg8[%parallel_loop3A_294, %parallel_loop3A_295] {strides = array<i32>} : memref<100x128xf32, #tpu.memory_space<vmem>>, vector<1x16xf32>,
      %parallel_loop3A_297 = vector.shape_cast %parallel_loop3A_296 : vector<1x16xf32> to vector<16xf32>
      %parallel_loop3A_298 = vector.shape_cast %parallel_loop3A_293 : vector<16xf32> to vector<1x16xf32>
      tpu.vector_store %arg8[%parallel_loop3A_294, %parallel_loop3A_295], %parallel_loop3A_298 {add = true, strides = array<i32>} : memref<100x128xf32, #tpu.memory_space<vmem>>, vector<1x16xf32>,
      %parallel_loop3A_299 = arith.index_cast %parallel_loop3A_64 : i32 to index
      %parallel_loop3A_300 = arith.constant 64 : index
      %parallel_loop3A_301 = tpu.vector_load %arg11[%parallel_loop3A_299, %parallel_loop3A_300] {strides = array<i32>} : memref<100x128xf32, #tpu.memory_space<vmem>>, vector<1x16xf32>,
      %parallel_loop3A_302 = vector.shape_cast %parallel_loop3A_301 : vector<1x16xf32> to vector<16xf32>
      %parallel_loop3A_303 = arith.index_cast %parallel_loop3A_64 : i32 to index
      %parallel_loop3A_304 = arith.constant 64 : index
      %parallel_loop3A_305 = tpu.vector_load %arg7[%parallel_loop3A_303, %parallel_loop3A_304] {strides = array<i32>} : memref<100x128xf32, #tpu.memory_space<vmem>>, vector<1x16xf32>,
      %parallel_loop3A_306 = vector.shape_cast %parallel_loop3A_305 : vector<1x16xf32> to vector<16xf32>
      %parallel_loop3A_307 = vector.shape_cast %parallel_loop3A_302 : vector<16xf32> to vector<1x16xf32>
      tpu.vector_store %arg7[%parallel_loop3A_303, %parallel_loop3A_304], %parallel_loop3A_307 {add = true, strides = array<i32>} : memref<100x128xf32, #tpu.memory_space<vmem>>, vector<1x16xf32>,
      %parallel_loop3A_308 = arith.index_cast %parallel_loop3A_64 : i32 to index
      %parallel_loop3A_309 = arith.constant 64 : index
      %parallel_loop3A_310 = tpu.vector_load %arg12[%parallel_loop3A_308, %parallel_loop3A_309] {strides = array<i32>} : memref<100x128xf32, #tpu.memory_space<vmem>>, vector<1x16xf32>,
      %parallel_loop3A_311 = vector.shape_cast %parallel_loop3A_310 : vector<1x16xf32> to vector<16xf32>
      %parallel_loop3A_312 = arith.index_cast %parallel_loop3A_64 : i32 to index
      %parallel_loop3A_313 = arith.constant 64 : index
      %parallel_loop3A_314 = tpu.vector_load %arg8[%parallel_loop3A_312, %parallel_loop3A_313] {strides = array<i32>} : memref<100x128xf32, #tpu.memory_space<vmem>>, vector<1x16xf32>,
      %parallel_loop3A_315 = vector.shape_cast %parallel_loop3A_314 : vector<1x16xf32> to vector<16xf32>
      %parallel_loop3A_316 = vector.shape_cast %parallel_loop3A_311 : vector<16xf32> to vector<1x16xf32>
      tpu.vector_store %arg8[%parallel_loop3A_312, %parallel_loop3A_313], %parallel_loop3A_316 {add = true, strides = array<i32>} : memref<100x128xf32, #tpu.memory_space<vmem>>, vector<1x16xf32>,
      %parallel_loop3A_317 = arith.index_cast %parallel_loop3A_64 : i32 to index
      %parallel_loop3A_318 = arith.constant 64 : index
      %parallel_loop3A_319 = tpu.vector_load %arg13[%parallel_loop3A_317, %parallel_loop3A_318] {strides = array<i32>} : memref<100x128xf32, #tpu.memory_space<vmem>>, vector<1x16xf32>,
      %parallel_loop3A_320 = vector.shape_cast %parallel_loop3A_319 : vector<1x16xf32> to vector<16xf32>
      %parallel_loop3A_321 = arith.index_cast %parallel_loop3A_64 : i32 to index
      %parallel_loop3A_322 = arith.constant 64 : index
      %parallel_loop3A_323 = tpu.vector_load %arg7[%parallel_loop3A_321, %parallel_loop3A_322] {strides = array<i32>} : memref<100x128xf32, #tpu.memory_space<vmem>>, vector<1x16xf32>,
      %parallel_loop3A_324 = vector.shape_cast %parallel_loop3A_323 : vector<1x16xf32> to vector<16xf32>
      %parallel_loop3A_325 = vector.shape_cast %parallel_loop3A_320 : vector<16xf32> to vector<1x16xf32>
      tpu.vector_store %arg7[%parallel_loop3A_321, %parallel_loop3A_322], %parallel_loop3A_325 {add = true, strides = array<i32>} : memref<100x128xf32, #tpu.memory_space<vmem>>, vector<1x16xf32>,
      %parallel_loop3A_326 = arith.index_cast %parallel_loop3A_64 : i32 to index
      %parallel_loop3A_327 = arith.constant 64 : index
      %parallel_loop3A_328 = tpu.vector_load %arg14[%parallel_loop3A_326, %parallel_loop3A_327] {strides = array<i32>} : memref<100x128xf32, #tpu.memory_space<vmem>>, vector<1x16xf32>,
      %parallel_loop3A_329 = vector.shape_cast %parallel_loop3A_328 : vector<1x16xf32> to vector<16xf32>
      %parallel_loop3A_330 = arith.index_cast %parallel_loop3A_64 : i32 to index
      %parallel_loop3A_331 = arith.constant 64 : index
      %parallel_loop3A_332 = tpu.vector_load %arg8[%parallel_loop3A_330, %parallel_loop3A_331] {strides = array<i32>} : memref<100x128xf32, #tpu.memory_space<vmem>>, vector<1x16xf32>,
      %parallel_loop3A_333 = vector.shape_cast %parallel_loop3A_332 : vector<1x16xf32> to vector<16xf32>
      %parallel_loop3A_334 = vector.shape_cast %parallel_loop3A_329 : vector<16xf32> to vector<1x16xf32>
      tpu.vector_store %arg8[%parallel_loop3A_330, %parallel_loop3A_331], %parallel_loop3A_334 {add = true, strides = array<i32>} : memref<100x128xf32, #tpu.memory_space<vmem>>, vector<1x16xf32>,
      %parallel_loop3A_335 = arith.index_cast %parallel_loop3A_64 : i32 to index
      %parallel_loop3A_336 = arith.constant 80 : index
      %parallel_loop3A_337 = tpu.vector_load %arg9[%parallel_loop3A_335, %parallel_loop3A_336] {strides = array<i32>} : memref<100x128xf32, #tpu.memory_space<vmem>>, vector<1x16xf32>,
      %parallel_loop3A_338 = vector.shape_cast %parallel_loop3A_337 : vector<1x16xf32> to vector<16xf32>
      %parallel_loop3A_339 = arith.index_cast %parallel_loop3A_64 : i32 to index
      %parallel_loop3A_340 = arith.constant 80 : index
      %parallel_loop3A_341 = tpu.vector_load %arg7[%parallel_loop3A_339, %parallel_loop3A_340] {strides = array<i32>} : memref<100x128xf32, #tpu.memory_space<vmem>>, vector<1x16xf32>,
      %parallel_loop3A_342 = vector.shape_cast %parallel_loop3A_341 : vector<1x16xf32> to vector<16xf32>
      %parallel_loop3A_343 = vector.shape_cast %parallel_loop3A_338 : vector<16xf32> to vector<1x16xf32>
      tpu.vector_store %arg7[%parallel_loop3A_339, %parallel_loop3A_340], %parallel_loop3A_343 {add = true, strides = array<i32>} : memref<100x128xf32, #tpu.memory_space<vmem>>, vector<1x16xf32>,
      %parallel_loop3A_344 = arith.index_cast %parallel_loop3A_64 : i32 to index
      %parallel_loop3A_345 = arith.constant 80 : index
      %parallel_loop3A_346 = tpu.vector_load %arg10[%parallel_loop3A_344, %parallel_loop3A_345] {strides = array<i32>} : memref<100x128xf32, #tpu.memory_space<vmem>>, vector<1x16xf32>,
      %parallel_loop3A_347 = vector.shape_cast %parallel_loop3A_346 : vector<1x16xf32> to vector<16xf32>
      %parallel_loop3A_348 = arith.index_cast %parallel_loop3A_64 : i32 to index
      %parallel_loop3A_349 = arith.constant 80 : index
      %parallel_loop3A_350 = tpu.vector_load %arg8[%parallel_loop3A_348, %parallel_loop3A_349] {strides = array<i32>} : memref<100x128xf32, #tpu.memory_space<vmem>>, vector<1x16xf32>,
      %parallel_loop3A_351 = vector.shape_cast %parallel_loop3A_350 : vector<1x16xf32> to vector<16xf32>
      %parallel_loop3A_352 = vector.shape_cast %parallel_loop3A_347 : vector<16xf32> to vector<1x16xf32>
      tpu.vector_store %arg8[%parallel_loop3A_348, %parallel_loop3A_349], %parallel_loop3A_352 {add = true, strides = array<i32>} : memref<100x128xf32, #tpu.memory_space<vmem>>, vector<1x16xf32>,
      %parallel_loop3A_353 = arith.index_cast %parallel_loop3A_64 : i32 to index
      %parallel_loop3A_354 = arith.constant 80 : index
      %parallel_loop3A_355 = tpu.vector_load %arg11[%parallel_loop3A_353, %parallel_loop3A_354] {strides = array<i32>} : memref<100x128xf32, #tpu.memory_space<vmem>>, vector<1x16xf32>,
      %parallel_loop3A_356 = vector.shape_cast %parallel_loop3A_355 : vector<1x16xf32> to vector<16xf32>
      %parallel_loop3A_357 = arith.index_cast %parallel_loop3A_64 : i32 to index
      %parallel_loop3A_358 = arith.constant 80 : index
      %parallel_loop3A_359 = tpu.vector_load %arg7[%parallel_loop3A_357, %parallel_loop3A_358] {strides = array<i32>} : memref<100x128xf32, #tpu.memory_space<vmem>>, vector<1x16xf32>,
      %parallel_loop3A_360 = vector.shape_cast %parallel_loop3A_359 : vector<1x16xf32> to vector<16xf32>
      %parallel_loop3A_361 = vector.shape_cast %parallel_loop3A_356 : vector<16xf32> to vector<1x16xf32>
      tpu.vector_store %arg7[%parallel_loop3A_357, %parallel_loop3A_358], %parallel_loop3A_361 {add = true, strides = array<i32>} : memref<100x128xf32, #tpu.memory_space<vmem>>, vector<1x16xf32>,
      %parallel_loop3A_362 = arith.index_cast %parallel_loop3A_64 : i32 to index
      %parallel_loop3A_363 = arith.constant 80 : index
      %parallel_loop3A_364 = tpu.vector_load %arg12[%parallel_loop3A_362, %parallel_loop3A_363] {strides = array<i32>} : memref<100x128xf32, #tpu.memory_space<vmem>>, vector<1x16xf32>,
      %parallel_loop3A_365 = vector.shape_cast %parallel_loop3A_364 : vector<1x16xf32> to vector<16xf32>
      %parallel_loop3A_366 = arith.index_cast %parallel_loop3A_64 : i32 to index
      %parallel_loop3A_367 = arith.constant 80 : index
      %parallel_loop3A_368 = tpu.vector_load %arg8[%parallel_loop3A_366, %parallel_loop3A_367] {strides = array<i32>} : memref<100x128xf32, #tpu.memory_space<vmem>>, vector<1x16xf32>,
      %parallel_loop3A_369 = vector.shape_cast %parallel_loop3A_368 : vector<1x16xf32> to vector<16xf32>
      %parallel_loop3A_370 = vector.shape_cast %parallel_loop3A_365 : vector<16xf32> to vector<1x16xf32>
      tpu.vector_store %arg8[%parallel_loop3A_366, %parallel_loop3A_367], %parallel_loop3A_370 {add = true, strides = array<i32>} : memref<100x128xf32, #tpu.memory_space<vmem>>, vector<1x16xf32>,
      %parallel_loop3A_371 = arith.index_cast %parallel_loop3A_64 : i32 to index
      %parallel_loop3A_372 = arith.constant 80 : index
      %parallel_loop3A_373 = tpu.vector_load %arg13[%parallel_loop3A_371, %parallel_loop3A_372] {strides = array<i32>} : memref<100x128xf32, #tpu.memory_space<vmem>>, vector<1x16xf32>,
      %parallel_loop3A_374 = vector.shape_cast %parallel_loop3A_373 : vector<1x16xf32> to vector<16xf32>
      %parallel_loop3A_375 = arith.index_cast %parallel_loop3A_64 : i32 to index
      %parallel_loop3A_376 = arith.constant 80 : index
      %parallel_loop3A_377 = tpu.vector_load %arg7[%parallel_loop3A_375, %parallel_loop3A_376] {strides = array<i32>} : memref<100x128xf32, #tpu.memory_space<vmem>>, vector<1x16xf32>,
      %parallel_loop3A_378 = vector.shape_cast %parallel_loop3A_377 : vector<1x16xf32> to vector<16xf32>
      %parallel_loop3A_379 = vector.shape_cast %parallel_loop3A_374 : vector<16xf32> to vector<1x16xf32>
      tpu.vector_store %arg7[%parallel_loop3A_375, %parallel_loop3A_376], %parallel_loop3A_379 {add = true, strides = array<i32>} : memref<100x128xf32, #tpu.memory_space<vmem>>, vector<1x16xf32>,
      %parallel_loop3A_380 = arith.index_cast %parallel_loop3A_64 : i32 to index
      %parallel_loop3A_381 = arith.constant 80 : index
      %parallel_loop3A_382 = tpu.vector_load %arg14[%parallel_loop3A_380, %parallel_loop3A_381] {strides = array<i32>} : memref<100x128xf32, #tpu.memory_space<vmem>>, vector<1x16xf32>,
      %parallel_loop3A_383 = vector.shape_cast %parallel_loop3A_382 : vector<1x16xf32> to vector<16xf32>
      %parallel_loop3A_384 = arith.index_cast %parallel_loop3A_64 : i32 to index
      %parallel_loop3A_385 = arith.constant 80 : index
      %parallel_loop3A_386 = tpu.vector_load %arg8[%parallel_loop3A_384, %parallel_loop3A_385] {strides = array<i32>} : memref<100x128xf32, #tpu.memory_space<vmem>>, vector<1x16xf32>,
      %parallel_loop3A_387 = vector.shape_cast %parallel_loop3A_386 : vector<1x16xf32> to vector<16xf32>
      %parallel_loop3A_388 = vector.shape_cast %parallel_loop3A_383 : vector<16xf32> to vector<1x16xf32>
      tpu.vector_store %arg8[%parallel_loop3A_384, %parallel_loop3A_385], %parallel_loop3A_388 {add = true, strides = array<i32>} : memref<100x128xf32, #tpu.memory_space<vmem>>, vector<1x16xf32>,
      %parallel_loop3A_389 = arith.index_cast %parallel_loop3A_64 : i32 to index
      %parallel_loop3A_390 = arith.constant 96 : index
      %parallel_loop3A_391 = tpu.vector_load %arg9[%parallel_loop3A_389, %parallel_loop3A_390] {strides = array<i32>} : memref<100x128xf32, #tpu.memory_space<vmem>>, vector<1x16xf32>,
      %parallel_loop3A_392 = vector.shape_cast %parallel_loop3A_391 : vector<1x16xf32> to vector<16xf32>
      %parallel_loop3A_393 = arith.index_cast %parallel_loop3A_64 : i32 to index
      %parallel_loop3A_394 = arith.constant 96 : index
      %parallel_loop3A_395 = tpu.vector_load %arg7[%parallel_loop3A_393, %parallel_loop3A_394] {strides = array<i32>} : memref<100x128xf32, #tpu.memory_space<vmem>>, vector<1x16xf32>,
      %parallel_loop3A_396 = vector.shape_cast %parallel_loop3A_395 : vector<1x16xf32> to vector<16xf32>
      %parallel_loop3A_397 = vector.shape_cast %parallel_loop3A_392 : vector<16xf32> to vector<1x16xf32>
      tpu.vector_store %arg7[%parallel_loop3A_393, %parallel_loop3A_394], %parallel_loop3A_397 {add = true, strides = array<i32>} : memref<100x128xf32, #tpu.memory_space<vmem>>, vector<1x16xf32>,
      %parallel_loop3A_398 = arith.index_cast %parallel_loop3A_64 : i32 to index
      %parallel_loop3A_399 = arith.constant 96 : index
      %parallel_loop3A_400 = tpu.vector_load %arg10[%parallel_loop3A_398, %parallel_loop3A_399] {strides = array<i32>} : memref<100x128xf32, #tpu.memory_space<vmem>>, vector<1x16xf32>,
      %parallel_loop3A_401 = vector.shape_cast %parallel_loop3A_400 : vector<1x16xf32> to vector<16xf32>
      %parallel_loop3A_402 = arith.index_cast %parallel_loop3A_64 : i32 to index
      %parallel_loop3A_403 = arith.constant 96 : index
      %parallel_loop3A_404 = tpu.vector_load %arg8[%parallel_loop3A_402, %parallel_loop3A_403] {strides = array<i32>} : memref<100x128xf32, #tpu.memory_space<vmem>>, vector<1x16xf32>,
      %parallel_loop3A_405 = vector.shape_cast %parallel_loop3A_404 : vector<1x16xf32> to vector<16xf32>
      %parallel_loop3A_406 = vector.shape_cast %parallel_loop3A_401 : vector<16xf32> to vector<1x16xf32>
      tpu.vector_store %arg8[%parallel_loop3A_402, %parallel_loop3A_403], %parallel_loop3A_406 {add = true, strides = array<i32>} : memref<100x128xf32, #tpu.memory_space<vmem>>, vector<1x16xf32>,
      %parallel_loop3A_407 = arith.index_cast %parallel_loop3A_64 : i32 to index
      %parallel_loop3A_408 = arith.constant 96 : index
      %parallel_loop3A_409 = tpu.vector_load %arg11[%parallel_loop3A_407, %parallel_loop3A_408] {strides = array<i32>} : memref<100x128xf32, #tpu.memory_space<vmem>>, vector<1x16xf32>,
      %parallel_loop3A_410 = vector.shape_cast %parallel_loop3A_409 : vector<1x16xf32> to vector<16xf32>
      %parallel_loop3A_411 = arith.index_cast %parallel_loop3A_64 : i32 to index
      %parallel_loop3A_412 = arith.constant 96 : index
      %parallel_loop3A_413 = tpu.vector_load %arg7[%parallel_loop3A_411, %parallel_loop3A_412] {strides = array<i32>} : memref<100x128xf32, #tpu.memory_space<vmem>>, vector<1x16xf32>,
      %parallel_loop3A_414 = vector.shape_cast %parallel_loop3A_413 : vector<1x16xf32> to vector<16xf32>
      %parallel_loop3A_415 = vector.shape_cast %parallel_loop3A_410 : vector<16xf32> to vector<1x16xf32>
      tpu.vector_store %arg7[%parallel_loop3A_411, %parallel_loop3A_412], %parallel_loop3A_415 {add = true, strides = array<i32>} : memref<100x128xf32, #tpu.memory_space<vmem>>, vector<1x16xf32>,
      %parallel_loop3A_416 = arith.index_cast %parallel_loop3A_64 : i32 to index
      %parallel_loop3A_417 = arith.constant 96 : index
      %parallel_loop3A_418 = tpu.vector_load %arg12[%parallel_loop3A_416, %parallel_loop3A_417] {strides = array<i32>} : memref<100x128xf32, #tpu.memory_space<vmem>>, vector<1x16xf32>,
      %parallel_loop3A_419 = vector.shape_cast %parallel_loop3A_418 : vector<1x16xf32> to vector<16xf32>
      %parallel_loop3A_420 = arith.index_cast %parallel_loop3A_64 : i32 to index
      %parallel_loop3A_421 = arith.constant 96 : index
      %parallel_loop3A_422 = tpu.vector_load %arg8[%parallel_loop3A_420, %parallel_loop3A_421] {strides = array<i32>} : memref<100x128xf32, #tpu.memory_space<vmem>>, vector<1x16xf32>,
      %parallel_loop3A_423 = vector.shape_cast %parallel_loop3A_422 : vector<1x16xf32> to vector<16xf32>
      %parallel_loop3A_424 = vector.shape_cast %parallel_loop3A_419 : vector<16xf32> to vector<1x16xf32>
      tpu.vector_store %arg8[%parallel_loop3A_420, %parallel_loop3A_421], %parallel_loop3A_424 {add = true, strides = array<i32>} : memref<100x128xf32, #tpu.memory_space<vmem>>, vector<1x16xf32>,
      %parallel_loop3A_425 = arith.index_cast %parallel_loop3A_64 : i32 to index
      %parallel_loop3A_426 = arith.constant 96 : index
      %parallel_loop3A_427 = tpu.vector_load %arg13[%parallel_loop3A_425, %parallel_loop3A_426] {strides = array<i32>} : memref<100x128xf32, #tpu.memory_space<vmem>>, vector<1x16xf32>,
      %parallel_loop3A_428 = vector.shape_cast %parallel_loop3A_427 : vector<1x16xf32> to vector<16xf32>
      %parallel_loop3A_429 = arith.index_cast %parallel_loop3A_64 : i32 to index
      %parallel_loop3A_430 = arith.constant 96 : index
      %parallel_loop3A_431 = tpu.vector_load %arg7[%parallel_loop3A_429, %parallel_loop3A_430] {strides = array<i32>} : memref<100x128xf32, #tpu.memory_space<vmem>>, vector<1x16xf32>,
      %parallel_loop3A_432 = vector.shape_cast %parallel_loop3A_431 : vector<1x16xf32> to vector<16xf32>
      %parallel_loop3A_433 = vector.shape_cast %parallel_loop3A_428 : vector<16xf32> to vector<1x16xf32>
      tpu.vector_store %arg7[%parallel_loop3A_429, %parallel_loop3A_430], %parallel_loop3A_433 {add = true, strides = array<i32>} : memref<100x128xf32, #tpu.memory_space<vmem>>, vector<1x16xf32>,
      %parallel_loop3A_434 = arith.index_cast %parallel_loop3A_64 : i32 to index
      %parallel_loop3A_435 = arith.constant 96 : index
      %parallel_loop3A_436 = tpu.vector_load %arg14[%parallel_loop3A_434, %parallel_loop3A_435] {strides = array<i32>} : memref<100x128xf32, #tpu.memory_space<vmem>>, vector<1x16xf32>,
      %parallel_loop3A_437 = vector.shape_cast %parallel_loop3A_436 : vector<1x16xf32> to vector<16xf32>
      %parallel_loop3A_438 = arith.index_cast %parallel_loop3A_64 : i32 to index
      %parallel_loop3A_439 = arith.constant 96 : index
      %parallel_loop3A_440 = tpu.vector_load %arg8[%parallel_loop3A_438, %parallel_loop3A_439] {strides = array<i32>} : memref<100x128xf32, #tpu.memory_space<vmem>>, vector<1x16xf32>,
      %parallel_loop3A_441 = vector.shape_cast %parallel_loop3A_440 : vector<1x16xf32> to vector<16xf32>
      %parallel_loop3A_442 = vector.shape_cast %parallel_loop3A_437 : vector<16xf32> to vector<1x16xf32>
      tpu.vector_store %arg8[%parallel_loop3A_438, %parallel_loop3A_439], %parallel_loop3A_442 {add = true, strides = array<i32>} : memref<100x128xf32, #tpu.memory_space<vmem>>, vector<1x16xf32>,
      %parallel_loop3A_443 = arith.index_cast %parallel_loop3A_64 : i32 to index
      %parallel_loop3A_444 = arith.constant 112 : index
      %parallel_loop3A_445 = tpu.vector_load %arg9[%parallel_loop3A_443, %parallel_loop3A_444] {strides = array<i32>} : memref<100x128xf32, #tpu.memory_space<vmem>>, vector<1x16xf32>,
      %parallel_loop3A_446 = vector.shape_cast %parallel_loop3A_445 : vector<1x16xf32> to vector<16xf32>
      %parallel_loop3A_447 = arith.index_cast %parallel_loop3A_64 : i32 to index
      %parallel_loop3A_448 = arith.constant 112 : index
      %parallel_loop3A_449 = tpu.vector_load %arg7[%parallel_loop3A_447, %parallel_loop3A_448] {strides = array<i32>} : memref<100x128xf32, #tpu.memory_space<vmem>>, vector<1x16xf32>,
      %parallel_loop3A_450 = vector.shape_cast %parallel_loop3A_449 : vector<1x16xf32> to vector<16xf32>
      %parallel_loop3A_451 = vector.shape_cast %parallel_loop3A_446 : vector<16xf32> to vector<1x16xf32>
      tpu.vector_store %arg7[%parallel_loop3A_447, %parallel_loop3A_448], %parallel_loop3A_451 {add = true, strides = array<i32>} : memref<100x128xf32, #tpu.memory_space<vmem>>, vector<1x16xf32>,
      %parallel_loop3A_452 = arith.index_cast %parallel_loop3A_64 : i32 to index
      %parallel_loop3A_453 = arith.constant 112 : index
      %parallel_loop3A_454 = tpu.vector_load %arg10[%parallel_loop3A_452, %parallel_loop3A_453] {strides = array<i32>} : memref<100x128xf32, #tpu.memory_space<vmem>>, vector<1x16xf32>,
      %parallel_loop3A_455 = vector.shape_cast %parallel_loop3A_454 : vector<1x16xf32> to vector<16xf32>
      %parallel_loop3A_456 = arith.index_cast %parallel_loop3A_64 : i32 to index
      %parallel_loop3A_457 = arith.constant 112 : index
      %parallel_loop3A_458 = tpu.vector_load %arg8[%parallel_loop3A_456, %parallel_loop3A_457] {strides = array<i32>} : memref<100x128xf32, #tpu.memory_space<vmem>>, vector<1x16xf32>,
      %parallel_loop3A_459 = vector.shape_cast %parallel_loop3A_458 : vector<1x16xf32> to vector<16xf32>
      %parallel_loop3A_460 = vector.shape_cast %parallel_loop3A_455 : vector<16xf32> to vector<1x16xf32>
      tpu.vector_store %arg8[%parallel_loop3A_456, %parallel_loop3A_457], %parallel_loop3A_460 {add = true, strides = array<i32>} : memref<100x128xf32, #tpu.memory_space<vmem>>, vector<1x16xf32>,
      %parallel_loop3A_461 = arith.index_cast %parallel_loop3A_64 : i32 to index
      %parallel_loop3A_462 = arith.constant 112 : index
      %parallel_loop3A_463 = tpu.vector_load %arg11[%parallel_loop3A_461, %parallel_loop3A_462] {strides = array<i32>} : memref<100x128xf32, #tpu.memory_space<vmem>>, vector<1x16xf32>,
      %parallel_loop3A_464 = vector.shape_cast %parallel_loop3A_463 : vector<1x16xf32> to vector<16xf32>
      %parallel_loop3A_465 = arith.index_cast %parallel_loop3A_64 : i32 to index
      %parallel_loop3A_466 = arith.constant 112 : index
      %parallel_loop3A_467 = tpu.vector_load %arg7[%parallel_loop3A_465, %parallel_loop3A_466] {strides = array<i32>} : memref<100x128xf32, #tpu.memory_space<vmem>>, vector<1x16xf32>,
      %parallel_loop3A_468 = vector.shape_cast %parallel_loop3A_467 : vector<1x16xf32> to vector<16xf32>
      %parallel_loop3A_469 = vector.shape_cast %parallel_loop3A_464 : vector<16xf32> to vector<1x16xf32>
      tpu.vector_store %arg7[%parallel_loop3A_465, %parallel_loop3A_466], %parallel_loop3A_469 {add = true, strides = array<i32>} : memref<100x128xf32, #tpu.memory_space<vmem>>, vector<1x16xf32>,
      %parallel_loop3A_470 = arith.index_cast %parallel_loop3A_64 : i32 to index
      %parallel_loop3A_471 = arith.constant 112 : index
      %parallel_loop3A_472 = tpu.vector_load %arg12[%parallel_loop3A_470, %parallel_loop3A_471] {strides = array<i32>} : memref<100x128xf32, #tpu.memory_space<vmem>>, vector<1x16xf32>,
      %parallel_loop3A_473 = vector.shape_cast %parallel_loop3A_472 : vector<1x16xf32> to vector<16xf32>
      %parallel_loop3A_474 = arith.index_cast %parallel_loop3A_64 : i32 to index
      %parallel_loop3A_475 = arith.constant 112 : index
      %parallel_loop3A_476 = tpu.vector_load %arg8[%parallel_loop3A_474, %parallel_loop3A_475] {strides = array<i32>} : memref<100x128xf32, #tpu.memory_space<vmem>>, vector<1x16xf32>,
      %parallel_loop3A_477 = vector.shape_cast %parallel_loop3A_476 : vector<1x16xf32> to vector<16xf32>
      %parallel_loop3A_478 = vector.shape_cast %parallel_loop3A_473 : vector<16xf32> to vector<1x16xf32>
      tpu.vector_store %arg8[%parallel_loop3A_474, %parallel_loop3A_475], %parallel_loop3A_478 {add = true, strides = array<i32>} : memref<100x128xf32, #tpu.memory_space<vmem>>, vector<1x16xf32>,
      %parallel_loop3A_479 = arith.index_cast %parallel_loop3A_64 : i32 to index
      %parallel_loop3A_480 = arith.constant 112 : index
      %parallel_loop3A_481 = tpu.vector_load %arg13[%parallel_loop3A_479, %parallel_loop3A_480] {strides = array<i32>} : memref<100x128xf32, #tpu.memory_space<vmem>>, vector<1x16xf32>,
      %parallel_loop3A_482 = vector.shape_cast %parallel_loop3A_481 : vector<1x16xf32> to vector<16xf32>
      %parallel_loop3A_483 = arith.index_cast %parallel_loop3A_64 : i32 to index
      %parallel_loop3A_484 = arith.constant 112 : index
      %parallel_loop3A_485 = tpu.vector_load %arg7[%parallel_loop3A_483, %parallel_loop3A_484] {strides = array<i32>} : memref<100x128xf32, #tpu.memory_space<vmem>>, vector<1x16xf32>,
      %parallel_loop3A_486 = vector.shape_cast %parallel_loop3A_485 : vector<1x16xf32> to vector<16xf32>
      %parallel_loop3A_487 = vector.shape_cast %parallel_loop3A_482 : vector<16xf32> to vector<1x16xf32>
      tpu.vector_store %arg7[%parallel_loop3A_483, %parallel_loop3A_484], %parallel_loop3A_487 {add = true, strides = array<i32>} : memref<100x128xf32, #tpu.memory_space<vmem>>, vector<1x16xf32>,
      %parallel_loop3A_488 = arith.index_cast %parallel_loop3A_64 : i32 to index
      %parallel_loop3A_489 = arith.constant 112 : index
      %parallel_loop3A_490 = tpu.vector_load %arg14[%parallel_loop3A_488, %parallel_loop3A_489] {strides = array<i32>} : memref<100x128xf32, #tpu.memory_space<vmem>>, vector<1x16xf32>,
      %parallel_loop3A_491 = vector.shape_cast %parallel_loop3A_490 : vector<1x16xf32> to vector<16xf32>
      %parallel_loop3A_492 = arith.index_cast %parallel_loop3A_64 : i32 to index
      %parallel_loop3A_493 = arith.constant 112 : index
      %parallel_loop3A_494 = tpu.vector_load %arg8[%parallel_loop3A_492, %parallel_loop3A_493] {strides = array<i32>} : memref<100x128xf32, #tpu.memory_space<vmem>>, vector<1x16xf32>,
      %parallel_loop3A_495 = vector.shape_cast %parallel_loop3A_494 : vector<1x16xf32> to vector<16xf32>
      %parallel_loop3A_496 = vector.shape_cast %parallel_loop3A_491 : vector<16xf32> to vector<1x16xf32>
      tpu.vector_store %arg8[%parallel_loop3A_492, %parallel_loop3A_493], %parallel_loop3A_496 {add = true, strides = array<i32>} : memref<100x128xf32, #tpu.memory_space<vmem>>, vector<1x16xf32>,
    } {sc.loop_unroll_factor = 4 : i64, sc.parallel_access}
    %run_scoped3A = arith.constant 0 : i32
    "tpu.region"() ({
      %run_scoped3A_64 = tpu.sem_alloc : memref<!tpu.dma_semaphore, #tpu.memory_space<semaphore_mem>>
      %dma_start3A_65 = arith.constant 0 : i32
      %dma_start3A_66 = arith.constant 0 : i32
      %dma_start3A_67 = tpu.memref_slice %arg5[%add3A, %run_scoped3A, %dma_start3A_65, %dma_start3A_66] : memref<32x2x100x128xf32, #tpu.memory_space<hbm>> -> memref<1x1x100x128xf32, #tpu.memory_space<hbm>>
      %dma_start3A_68 = tpu.memref_squeeze %dma_start3A_67 : memref<1x1x100x128xf32, #tpu.memory_space<hbm>> -> memref<100x128xf32, #tpu.memory_space<hbm>>
      %dma_start3A_69 = arith.constant 0 : i32
      %dma_start3A_70 = arith.constant 0 : i32
      %dma_start3A_71 = tpu.memref_slice %arg5[%add3A, %run_scoped3A, %dma_start3A_69, %dma_start3A_70] : memref<32x2x100x128xf32, #tpu.memory_space<hbm>> -> memref<1x1x100x128xf32, #tpu.memory_space<hbm>>
      %dma_start3A_72 = tpu.memref_squeeze %dma_start3A_71 : memref<1x1x100x128xf32, #tpu.memory_space<hbm>> -> memref<100x128xf32, #tpu.memory_space<hbm>>
      tpu.enqueue_dma source(%arg7 : memref<100x128xf32, #tpu.memory_space<vmem>>) target(%dma_start3A_72 : memref<100x128xf32, #tpu.memory_space<hbm>>) target_semaphore(%run_scoped3A_64 : memref<!tpu.dma_semaphore, #tpu.memory_space<semaphore_mem>>)
      %dma_wait3A = arith.constant 0 : i32
      %dma_wait3A_73 = arith.constant 0 : i32
      %dma_wait3A_74 = tpu.memref_slice %arg5[%add3A, %run_scoped3A, %dma_wait3A, %dma_wait3A_73] : memref<32x2x100x128xf32, #tpu.memory_space<hbm>> -> memref<1x1x100x128xf32, #tpu.memory_space<hbm>>
      %dma_wait3A_75 = tpu.memref_squeeze %dma_wait3A_74 : memref<1x1x100x128xf32, #tpu.memory_space<hbm>> -> memref<100x128xf32, #tpu.memory_space<hbm>>
      %dma_wait3A_76 = arith.constant 0 : i32
      %dma_wait3A_77 = arith.constant 0 : i32
      %dma_wait3A_78 = tpu.memref_slice %arg5[%add3A, %run_scoped3A, %dma_wait3A_76, %dma_wait3A_77] : memref<32x2x100x128xf32, #tpu.memory_space<hbm>> -> memref<1x1x100x128xf32, #tpu.memory_space<hbm>>
      %dma_wait3A_79 = tpu.memref_squeeze %dma_wait3A_78 : memref<1x1x100x128xf32, #tpu.memory_space<hbm>> -> memref<100x128xf32, #tpu.memory_space<hbm>>
      tpu.wait_dma2 semaphore(%run_scoped3A_64 : memref<!tpu.dma_semaphore, #tpu.memory_space<semaphore_mem>>) src(%arg7 : memref<100x128xf32, #tpu.memory_space<vmem>>) dst(%dma_wait3A_79 : memref<100x128xf32, #tpu.memory_space<hbm>>)
      tpu.yield
    }) : () -> ()
    %run_scoped3A_63 = arith.constant 1 : i32
    "tpu.region"() ({
      %run_scoped3A_64 = tpu.sem_alloc : memref<!tpu.dma_semaphore, #tpu.memory_space<semaphore_mem>>
      %dma_start3A_65 = arith.constant 0 : i32
      %dma_start3A_66 = arith.constant 0 : i32
      %dma_start3A_67 = tpu.memref_slice %arg5[%add3A, %run_scoped3A_63, %dma_start3A_65, %dma_start3A_66] : memref<32x2x100x128xf32, #tpu.memory_space<hbm>> -> memref<1x1x100x128xf32, #tpu.memory_space<hbm>>
      %dma_start3A_68 = tpu.memref_squeeze %dma_start3A_67 : memref<1x1x100x128xf32, #tpu.memory_space<hbm>> -> memref<100x128xf32, #tpu.memory_space<hbm>>
      %dma_start3A_69 = arith.constant 0 : i32
      %dma_start3A_70 = arith.constant 0 : i32
      %dma_start3A_71 = tpu.memref_slice %arg5[%add3A, %run_scoped3A_63, %dma_start3A_69, %dma_start3A_70] : memref<32x2x100x128xf32, #tpu.memory_space<hbm>> -> memref<1x1x100x128xf32, #tpu.memory_space<hbm>>
      %dma_start3A_72 = tpu.memref_squeeze %dma_start3A_71 : memref<1x1x100x128xf32, #tpu.memory_space<hbm>> -> memref<100x128xf32, #tpu.memory_space<hbm>>
      tpu.enqueue_dma source(%arg8 : memref<100x128xf32, #tpu.memory_space<vmem>>) target(%dma_start3A_72 : memref<100x128xf32, #tpu.memory_space<hbm>>) target_semaphore(%run_scoped3A_64 : memref<!tpu.dma_semaphore, #tpu.memory_space<semaphore_mem>>)
      %dma_wait3A = arith.constant 0 : i32
      %dma_wait3A_73 = arith.constant 0 : i32
      %dma_wait3A_74 = tpu.memref_slice %arg5[%add3A, %run_scoped3A_63, %dma_wait3A, %dma_wait3A_73] : memref<32x2x100x128xf32, #tpu.memory_space<hbm>> -> memref<1x1x100x128xf32, #tpu.memory_space<hbm>>
      %dma_wait3A_75 = tpu.memref_squeeze %dma_wait3A_74 : memref<1x1x100x128xf32, #tpu.memory_space<hbm>> -> memref<100x128xf32, #tpu.memory_space<hbm>>
      %dma_wait3A_76 = arith.constant 0 : i32
      %dma_wait3A_77 = arith.constant 0 : i32
      %dma_wait3A_78 = tpu.memref_slice %arg5[%add3A, %run_scoped3A_63, %dma_wait3A_76, %dma_wait3A_77] : memref<32x2x100x128xf32, #tpu.memory_space<hbm>> -> memref<1x1x100x128xf32, #tpu.memory_space<hbm>>
      %dma_wait3A_79 = tpu.memref_squeeze %dma_wait3A_78 : memref<1x1x100x128xf32, #tpu.memory_space<hbm>> -> memref<100x128xf32, #tpu.memory_space<hbm>>
      tpu.wait_dma2 semaphore(%run_scoped3A_64 : memref<!tpu.dma_semaphore, #tpu.memory_space<semaphore_mem>>) src(%arg8 : memref<100x128xf32, #tpu.memory_space<vmem>>) dst(%dma_wait3A_79 : memref<100x128xf32, #tpu.memory_space<hbm>>)
      tpu.yield
    }) : () -> ()
    return
  }
}

module attributes {stable_mosaic.version = 14 : i64} {
  func.func @body(%arg0: i32, %arg1: memref<32x2x100x128xf32, #tpu.memory_space<vmem>>, %arg2: memref<10240x128xf32, #tpu.memory_space<vmem>>, %arg3: memref<10240xf32, #tpu.memory_space<vmem>>, %arg4: memref<200x10240xf32, #tpu.memory_space<vmem>>, %arg5: memref<200x128xf32, #tpu.memory_space<vmem>>) attributes {dimension_semantics = [#tpu.dimension_semantics<arbitrary>], iteration_bounds = array<i64: 10>, scalar_prefetch = 0 : i64, scratch_operands = 1 : i64, tpu.core_type = #tpu.core_type<tc>, window_params = [{pipeline_mode = #tpu.pipeline_mode<synchronous>, transform_indices = @transform_0, window_bounds = array<i64: 32, 2, 100, 128>}, {transform_indices = @transform_1, window_bounds = array<i64: 10240, 128>}, {transform_indices = @transform_2, window_bounds = array<i64: 10240>}, {transform_indices = @transform_3, window_bounds = array<i64: 200, 10240>}]} {
    %eq3A = arith.constant 0 : i32
    %eq3A_0 = arith.cmpi eq, %arg0, %eq3A : i32
    %convert_element_type3A = arith.extui %eq3A_0 : i1 to i32
    %cond3A = arith.constant 0 : i32
    %cond3A_1 = arith.cmpi ne, %convert_element_type3A, %cond3A : i32
    scf.if %cond3A_1 {
      %get3A_15 = arith.constant 0 : index
      %get3A_16 = arith.constant 0 : index
      %get3A_17 = arith.constant 0 : index
      %get3A_18 = arith.constant 0 : index
      %get3A_19 = vector.load %arg1[%get3A_15, %get3A_16, %get3A_17, %get3A_18] : memref<32x2x100x128xf32, #tpu.memory_space<vmem>>, vector<32x1x100x128xf32>
      %get3A_20 = vector.shape_cast %get3A_19 : vector<32x1x100x128xf32> to vector<32x100x128xf32>
      %reduce_sum3A = arith.constant dense<0.000000e+00> : vector<100x128xf32>
      %reduce_sum3A_21 = vector.multi_reduction <add>, %get3A_20, %reduce_sum3A [0] : vector<32x100x128xf32> to vector<100x128xf32>
      %swap3A_22 = arith.constant 0 : index
      %swap3A_23 = arith.constant 0 : index
      %swap3A_24 = vector.load %arg5[%swap3A_22, %swap3A_23] : memref<200x128xf32, #tpu.memory_space<vmem>>, vector<100x128xf32>
      tpu.vector_store %arg5[%swap3A_22, %swap3A_23], %reduce_sum3A_21 {strides = array<i32>} : memref<200x128xf32, #tpu.memory_space<vmem>>, vector<100x128xf32>,
      %get3A_25 = arith.constant 0 : index
      %get3A_26 = arith.constant 1 : index
      %get3A_27 = arith.constant 0 : index
      %get3A_28 = arith.constant 0 : index
      %get3A_29 = vector.load %arg1[%get3A_25, %get3A_26, %get3A_27, %get3A_28] : memref<32x2x100x128xf32, #tpu.memory_space<vmem>>, vector<32x1x100x128xf32>
      %get3A_30 = vector.shape_cast %get3A_29 : vector<32x1x100x128xf32> to vector<32x100x128xf32>
      %reduce_sum3A_31 = arith.constant dense<0.000000e+00> : vector<100x128xf32>
      %reduce_sum3A_32 = vector.multi_reduction <add>, %get3A_30, %reduce_sum3A_31 [0] : vector<32x100x128xf32> to vector<100x128xf32>
      %swap3A_33 = arith.constant 100 : index
      %swap3A_34 = arith.constant 0 : index
      %swap3A_35 = vector.load %arg5[%swap3A_33, %swap3A_34] : memref<200x128xf32, #tpu.memory_space<vmem>>, vector<100x128xf32>
      tpu.vector_store %arg5[%swap3A_33, %swap3A_34], %reduce_sum3A_32 {strides = array<i32>} : memref<200x128xf32, #tpu.memory_space<vmem>>, vector<100x128xf32>,
    } else {
    }
    %get3A = arith.constant 0 : index
    %get3A_2 = arith.constant 0 : index
    %get3A_3 = vector.load %arg5[%get3A, %get3A_2] : memref<200x128xf32, #tpu.memory_space<vmem>>, vector<200x128xf32>
    %convert_element_type3A_4 = arith.truncf %get3A_3 : vector<200x128xf32> to vector<200x128xbf16>
    %get3A_5 = arith.constant 0 : index
    %get3A_6 = arith.constant 0 : index
    %get3A_7 = vector.load %arg2[%get3A_5, %get3A_6] : memref<10240x128xf32, #tpu.memory_space<vmem>>, vector<10240x128xf32>
    %convert_element_type3A_8 = arith.truncf %get3A_7 : vector<10240x128xf32> to vector<10240x128xbf16>
    %dot_general3A = arith.constant dense<0.000000e+00> : vector<200x10240xf32>
    %dot_general3A_9 = tpu.matmul %convert_element_type3A_4, %convert_element_type3A_8, %dot_general3A {dimension_numbers = #tpu.dot_dimension_numbers<[1], [1], [0], [0], [0, 0, 1, 0], [], []>, transpose_lhs_hint = false} : vector<200x128xbf16>, vector<10240x128xbf16>, vector<200x10240xf32> -> vector<200x10240xf32>
    %get3A_10 = arith.constant 0 : index
    %get3A_11 = vector.load %arg3[%get3A_10] : memref<10240xf32, #tpu.memory_space<vmem>>, vector<10240xf32>
    %broadcast_in_dim3A = vector.shape_cast %get3A_11 : vector<10240xf32> to vector<1x10240xf32>
    %add3A = vector.broadcast %broadcast_in_dim3A : vector<1x10240xf32> to vector<200x10240xf32>
    %add3A_12 = arith.addf %dot_general3A_9, %add3A : vector<200x10240xf32>
    %swap3A = arith.constant 0 : index
    %swap3A_13 = arith.constant 0 : index
    %swap3A_14 = vector.load %arg4[%swap3A, %swap3A_13] : memref<200x10240xf32, #tpu.memory_space<vmem>>, vector<200x10240xf32>
    tpu.vector_store %arg4[%swap3A, %swap3A_13], %add3A_12 {strides = array<i32>} : memref<200x10240xf32, #tpu.memory_space<vmem>>, vector<200x10240xf32>,
    return
  }
  func.func @transform_0(%arg0: i32) -> (i32, i32, i32, i32) {
    %c0_i32 = arith.constant 0 : i32
    %c0_i32_0 = arith.constant 0 : i32
    %c0_i32_1 = arith.constant 0 : i32
    %c0_i32_2 = arith.constant 0 : i32
    %c0_i32_3 = arith.constant 0 : i32
    return %c0_i32, %c0_i32_0, %c0_i32_1, %c0_i32_2 : i32, i32, i32, i32
  }
  func.func @transform_1(%arg0: i32) -> (i32, i32) {
    %c0_i32 = arith.constant 0 : i32
    %c0_i32_0 = arith.constant 0 : i32
    return %arg0, %c0_i32 : i32, i32
  }
  func.func @transform_2(%arg0: i32) -> i32 {
    %c0_i32 = arith.constant 0 : i32
    return %arg0 : i32
  }
  func.func @transform_3(%arg0: i32) -> (i32, i32) {
    %c0_i32 = arith.constant 0 : i32
    %c0_i32_0 = arith.constant 0 : i32
    return %c0_i32, %arg0 : i32, i32
  }
}

</mosaic_0001>

<sc_bundles>
// kernel: kernel.4.cloned.1.call-start
scs
__scs_entry_jumppad:
0x0: {  	(pc) =	sbr.rel $0x88, $3  }
0x1: {  	(tag) =	ssettag $0x0;
	lr =	simm.s32 $0x1  }
0x2: {  	[smem:$0x3F9D] =	sst lr;
	_ =	strace $0xD0000000  }
0x3: {  	_ = 	snop  }
0x4: {  	_ = 	snop  }
0x5: {  	_ = 	snop  }
0x6: {  	_ = 	snop  }
0x7: {  	_ = 	snop  }
__scs_overlays_trampoline_lowered:
0x8: {  	[smem:$0x3FAC] =	sst s0  }
0x9: {  	[smem:$0x3FAD] =	sst s1  }
0xa: {  	[smem:$0x3FAE] =	sst s2  }
0xb: {  	[smem:$0x3FAF] =	sst s3  }
0xc: {  	[smem:$0x3FB0] =	sst s4  }
0xd: {  	[smem:$0x3FB1] =	sst s5  }
0xe: {  	[smem:$0x3FB2] =	sst s6  }
0xf: {  	[smem:$0x3FB3] =	sst s7  }
0x10: {  	[smem:$0x3FB4] =	sst s8  }
0x11: {  	[smem:$0x3FB5] =	sst s9;
	s0 =	simm.s32 @!p0 $0x0  }
0x12: {  	s1 =	sld [smem:$0x3F9B];
	s0 =	simm.s32 @p0 $0x1  }
0x13: {  	[smem:$0x3FB6] =	sst s0;
	s0 =	simm.s32 @!p1 $0x0  }
0x14: {  	s2 =	sld [smem:$0x3F9A];
	s0 =	simm.s32 @p1 $0x1  }
0x15: {  	[smem:$0x3FB7] =	sst s0;
	s0 =	simm.s32 @!p2 $0x0  }
0x16: {  	s3 =	sld [smem:$0x3FDB];
	s0 =	simm.s32 @p2 $0x1  }
0x17: {  	s4 =	simm.s32 $0x1BF5;
	[smem:$0x3FB9] =	sst s0  }
0x18: {  	s0 =	sld [smem:$0x3F9C];
	_ =	swait.ge [sflag:s4], $0x0  }
0x19: {  	s7 =	sld [smem:$0x3F9D]  }
0x1a: {  	s8 =	sadd.s32 $0xFFFFE003, lr  }
0x1b: {  	s9 =	sadd.s32 $0xFFFFFEF7, lr;
	s5 =	simm.s32 $0xFFFFFFFF;
	p2 =	slt.u32 s8, $0xFFFFF086  }
0x1c: {  	p1 =	slt.u32 s9, $0xF7A;
	s5 =	simm.s32 @!p2 $0x0  }
0x1d: {  	s5 =	simm.s32 @p1 $0x1;
	p0 =	seq.s32 s7, s2  }
0x1e: {  	s7 =	smul.u32 @!p0 $0xF7A, s2;
	p2 =	seq.s32 @!p0 s5, $0x0  }
0x1f: {  	s9 =	smul.u32 $0xF7A, s1;
	s8 =	simm.s32 @!p0 $0x1BF5;
	p2 =	por !p2, p0  }
0x20: {  	[sflag:s8] =	ssyncset.s32 @!p0 $0xFFFFF086;
	s6 =	sadd.s32 @!p0 s3, s7;
	s7 =	simm.s32 @!p0 $0x108  }
0x21: {  	s3 =	sadd.s32 s3, s9;
	s6 =	sadd.s32 @!p0 $0x88, s6;
	s7 =	simm.s32 @p2 $0x1082  }
0x22: {  	[simem:s7], [sflag:s8] =	dma.local @!p0 [hbm:s6], $0xF7A  }
0x23: {  	s9 =	sor.u32 $0xD0000000, s2;
	s6 =	simm.s32 $0x108;
	_ =	swait.ge @!p0 [sflag:s8], $0x0  }
0x24: {  	s3 =	sadd.s32 $0x88, s3;
	s6 =	simm.s32 @!p1 $0x1082;
	[sflag:s4] =	ssyncset.s32 $0xFFFFF086  }
0x25: {  	[simem:s6], [sflag:s4] =	dma.local [hbm:s3], $0xF7A  }
0x26: {  	[smem:$0x3F9D] =	sst s1;
	(tag) =	ssettag s2;
	_ =	strace s9  }
0x27: {  	s1 =	sld [smem:$0x3FAD]  }
0x28: {  	s2 =	sld [smem:$0x3FAE]  }
0x29: {  	s4 =	sld [smem:$0x3FB0]  }
0x2a: {  	p0 =	seq.s32 s5, $0x0;
	s5 =	sld [smem:$0x3FB1]  }
0x2b: {  	s6 =	sld [smem:$0x3FB2]  }
0x2c: {  	s7 =	sld [smem:$0x3FB3]  }
0x2d: {  	s3 =	simm.s32 $0x108;
	s8 =	sld [smem:$0x3FB4]  }
0x2e: {  	s3 =	simm.s32 @!p0 $0x1082;
	s9 =	sld [smem:$0x3FB5]  }
0x2f: {  	lr =	sadd.s32 s0, s3;
	s0 =	sld [smem:$0x3FAC]  }
0x30: {  	s3 =	sld [smem:$0x3FAF]  }
0x31: {  	[smem:$0x3FB8] =	sst s10  }
0x32: {  	s10 =	sld [smem:$0x3FB6];
	_ =	sdelay $0x3  }
0x33: {  	p0 =	seq.s32 s10, $0x1;
	s10 =	sld [smem:$0x3FB8];
	_ =	sdelay $0x3  }
0x34: {  	[smem:$0x3FB8] =	sst s10  }
0x35: {  	s10 =	sld [smem:$0x3FB7];
	_ =	sdelay $0x3  }
0x36: {  	p1 =	seq.s32 s10, $0x1;
	s10 =	sld [smem:$0x3FB8];
	_ =	sdelay $0x3  }
0x37: {  	[smem:$0x3FB8] =	sst s10  }
0x38: {  	s10 =	sld [smem:$0x3FB9]  }
0x39: {  	_ = 	snop;
	(pc) =	sbr.ind lr, $3  }
0x3a: {  	_ = 	snop  }
0x3b: {  	_ = 	snop  }
0x3c: {  	p2 =	seq.s32 s10, $0x1;
	s10 =	sld [smem:$0x3FB8]  }
0x3d: {  	_ =	shalt  }
0x3e: {  	_ =	shalt  }
0x3f: {  	_ =	shalt  }
0x40: {  	_ =	shalt  }
0x41: {  	_ =	shalt  }
0x42: {  	_ =	shalt  }
0x43: {  	_ =	shalt  }
0x44: {  	_ =	shalt  }
0x45: {  	_ =	shalt  }
0x46: {  	_ =	shalt  }
0x47: {  	_ =	shalt  }
0x48: {  	_ =	shalt  }
0x49: {  	_ =	shalt  }
0x4a: {  	_ =	shalt  }
0x4b: {  	_ =	shalt  }
0x4c: {  	_ =	shalt  }
0x4d: {  	_ =	shalt  }
0x4e: {  	_ =	shalt  }
0x4f: {  	_ =	shalt  }
0x50: {  	_ =	shalt  }
0x51: {  	_ =	shalt  }
0x52: {  	_ =	shalt  }
0x53: {  	_ =	shalt  }
0x54: {  	_ =	shalt  }
0x55: {  	_ =	shalt  }
0x56: {  	_ =	shalt  }
0x57: {  	_ =	shalt  }
0x58: {  	_ =	shalt  }
0x59: {  	_ =	shalt  }
0x5a: {  	_ =	shalt  }
0x5b: {  	_ =	shalt  }
0x5c: {  	_ =	shalt  }
0x5d: {  	_ =	shalt  }
0x5e: {  	_ =	shalt  }
0x5f: {  	_ =	shalt  }
0x60: {  	_ =	shalt  }
0x61: {  	_ =	shalt  }
0x62: {  	_ =	shalt  }
0x63: {  	_ =	shalt  }
0x64: {  	_ =	shalt  }
0x65: {  	_ =	shalt  }
0x66: {  	_ =	shalt  }
0x67: {  	_ =	shalt  }
0x68: {  	_ =	shalt  }
0x69: {  	_ =	shalt  }
0x6a: {  	_ =	shalt  }
0x6b: {  	_ =	shalt  }
0x6c: {  	_ =	shalt  }
0x6d: {  	_ =	shalt  }
0x6e: {  	_ =	shalt  }
0x6f: {  	_ =	shalt  }
0x70: {  	_ =	shalt  }
0x71: {  	_ =	shalt  }
0x72: {  	_ =	shalt  }
0x73: {  	_ =	shalt  }
0x74: {  	_ =	shalt  }
0x75: {  	_ =	shalt  }
0x76: {  	_ =	shalt  }
0x77: {  	_ =	shalt  }
0x78: {  	_ =	shalt  }
0x79: {  	_ =	shalt  }
0x7a: {  	_ =	shalt  }
0x7b: {  	_ =	shalt  }
0x7c: {  	_ =	shalt  }
0x7d: {  	_ =	shalt  }
0x7e: {  	_ =	shalt  }
0x7f: {  	_ =	shalt  }
0x80: {  	_ =	shalt  }
0x81: {  	_ =	shalt  }
0x82: {  	_ =	shalt  }
0x83: {  	_ =	shalt  }
0x84: {  	_ =	shalt  }
0x85: {  	_ =	shalt  }
0x86: {  	_ =	shalt  }
0x87: {  	_ =	shalt  }
.Lfunc_end0:
.L_simem_size_0:
called_computation_lowered:
.L_overlay_start_0:
0x88: {  	s2 =	sld [smem:$0x3FD9]  }
0x89: {  	s3 =	sld [smem:$0x3FFE];
	_ =	sdelay $0x1  }
0x8a: {  	s1 =	srdreg.scid  }
0x8b: {  	s0 =	sand.u32 $0x1, s1  }
0x8c: {  	s17 =	sshll.u32 s0, $0xA;
	s2 =	sadd.s32 s3, s2  }
0x8d: {  	s2 =	sadd.s32 s2, s17  }
0x8e: {  	[smem:$0x3FC4] =	sst s2  }
0x8f: {  	_ = 	snop  }
0x90: {  	s2 =	sld [smem:$0x3FC8]  }
0x91: {  	s18 =	sld [smem:$0x3FD0];
	(tm) =	ssettm $0x1  }
0x92: {  	s4 =	sld [smem:$0x3FFB];
	_ =	sdelay $0x3  }
0x93: {  	_ =	strace s4  }
0x94: {  	s4 =	sld [smem:$0x3FFC];
	_ =	sdelay $0x3  }
0x95: {  	_ =	strace s4  }
0x96: {  	s4 =	sld [smem:$0x3FFD];
	_ =	sdelay $0x3  }
0x97: {  	_ =	strace s4  }
0x98: {  	_ =	strace $0x8FFFFFFF  }
0x99: {  	s19 =	sld [smem:$0x3FDB];
	_ =	sdelay $0x1  }
0x9a: {  	s5 =	simm.s32 $_scs_section_size  }
0x9b: {  	s6 =	simm.s32 $_size__tile_overlayer_lowered;
	s7 =	simm.s32 $_tile_overlayer_lowered  }
0x9c: {  	s22 =	simm.s32 $0x1BFF;
	s21 =	sshll.u32 s7, $0x1;
	s4 =	sadd.s32 s5, s19  }
0x9d: {  	s8 =	simm.s32 $0x0;
	s20 =	sshll.u32 s6, $0x1;
	s6 =	sadd.s32 s21, s4  }
0x9e: {  	[timem:s8], [sflag:s22] =	dma.local [hbm:s6], s20  }
0x9f: {  	_ =	swait.ge [sflag:s22], s20  }
0xa0: {  	s5 =	ssub.s32 $0x0, s20;
	[sflag:s22] =	ssyncset.done $0x0  }
0xa1: {  	[sflag:s22] =	ssyncadd.s32 s5;
	_ =	sdelay $0x1  }
0xa2: {  	s23 =	simm.s32 $0x1B8B  }
0xa3: {  	_ =	swait.ge [sflag:s23], $0x1  }
0xa4: {  	[sflag:s23] =	ssyncset.done $0x0  }
0xa5: {  	s25 =	simm.s32 $0x1B8E;
	s24 =	sld [smem:$0x3FFE];
	[sflag:s23] =	ssyncadd.s32 $0xFFFFFFFF  }
0xa6: {  	s26 =	simm.s32 $execute0_lowered;
	[smem:$0x3FD2] =	sst s25  }
0xa7: {  	s6 =	sshll.u32 s26, $0x1;
	_ =	strace $0x80000046;
	[dreg:$0x1] =	wrdreg $0xFFFFFFFF  }
0xa8: {  	s28 =	simm.s32 $_size_execute0_lowered;
	s4 =	sadd.s32 s4, s6;
	[dreg:$0x0] =	wrdreg $0x0  }
0xa9: {  	s6 =	sshll.u32 s28, $0x1;
	[dreg:$0x2] =	wrdreg s4  }
0xaa: {  	[dreg:$0x3] =	wrdreg s6  }
0xab: {  	[dreg:$0x4] =	wrdreg $0xC0  }
0xac: {  	_ =	task [dreg:s8], $0x5FFFF  }
0xad: {  	[dreg:$0x1] =	wrdreg $0xFFFFFFFF  }
0xae: {  	[dreg:$0x0] =	wrdreg $0x60  }
0xaf: {  	[dreg:$0x2] =	wrdreg s24  }
0xb0: {  	[dreg:$0x3] =	wrdreg s2  }
0xb1: {  	[dreg:$0x4] =	wrdreg s18  }
0xb2: {  	[dreg:$0x5] =	wrdreg $0x9  }
0xb3: {  	_ =	task.clear_ibuf [dreg:s8], $0x6FFFF;
	_ =	strace $0x90000046  }
0xb4: {  	s29 =	simm.s32 $0x9;
	_ =	strace $0x80000048  }
0xb5: {  	_ =	swait.ge [sflag:s29], $0x1  }
0xb6: {  	[sflag:s29] =	ssyncadd.s32 $0xFFFFFFFF  }
0xb7: {  	_ =	strace $0x90000048  }
0xb8: {  	_ =	sfence  }
0xb9: {  	s30 =	sld [smem:$0x0];
	_ =	sdelay $0x2  }
0xba: {  	s31 =	sshll.u32 s1, $0xD;
	s1 =	sshrl.u32 s1, $0x2  }
0xbb: {  	s3 =	sand.u32 $0x4000, s31;
	s1 =	sadd.s32 s1, s30  }
0xbc: {  	s0 =	sor.u32 s3, s0;
	s1 =	sshll.u32 s1, $0x11  }
0xbd: {  	s0 =	sor.u32 s1, s0  }
0xbe: {  	s0 =	sadd.s32 $0x8F2B, s0  }
0xbf: {  	[sflag:s0] =	ssyncadd.remote.s32 $0x1  }
0xc0: {  	_ =	sfence.sel $0xFFFF  }
0xc1: {  	[dreg:$0x0] =	wrdreg $0xFFFFFFFF;
	(pc) =	sbr.abs _section_cstart, $3  }
0xc2: {  	[dreg:$0x1] =	wrdreg $0xFFFFFFFF  }
0xc3: {  	_ =	task.clear_ibuf [dreg:s8], $0x2FFFF;
	_ =	strace $0x9FFFFFFF  }
0xc4: {  	(tm) =	ssettm $0x7FFFFFFF  }
0xc5: {  	_ =	shalt  }
tec
execute0_lowered:
.L_overlay_start_1:
0x0: {  	(tag) =	ssettag $0x1  }
0x1: {  	s0 =	rddreg [dreg:$0x0]  }
0x2: {  	s2 =	rddreg [dreg:$0x1];
	s1 =	srdreg.scid  }
0x3: {  	s3 =	stileid.u32;
	s4 =	rddreg [dreg:$0x2]  }
0x4: {  	s8 =	simm.s32 $0x9;
	s9 =	simm.s32 $0x64;
	s10 =	simm.s32 $0x2000  }
0x5: {  	s12 =	simm.s32 $0x5400;
	s14 =	simm.s32 $0x8800;
	s16 =	simm.s32 $0xBC00  }
0x6: {  	s18 =	simm.s32 $0xF000;
	s19 =	simm.s32 $0x280;
	s20 =	simm.s32 $0x12400  }
0x7: {  	s21 =	simm.s32 $0x300;
	s22 =	simm.s32 $0x15800;
	s23 =	simm.s32 $0x380  }
0x8: {  	s24 =	simm.s32 $0x18C00;
	s25 =	simm.s32 $0x1;
	s28 =	simm.s32 $0x3  }
0x9: {  	s29 =	simm.s32 $0x4;
	s30 =	simm.s32 $0x5;
	s31 =	simm.s32 $0x6  }
0xa: {  	s1 =	sand.u32 $0x1, s1;
	s5 =	sshll.u32 s3, $0x1;
	s3 =	simm.s32 $0x0  }
0xb: {  	s11 =	simm.s32 $0x0;
	s5 =	sor.u32 s1, s5;
	[smem:$0x7FF] =	sst s3  }
0xc: {  	s1 =	ssub.s32 $0x2, s1;
	s6 =	smul.u32 $0x6800, s5;
	s5 =	sshll.u32 s5, $0xA  }
0xd: {  	_ =	strace $0x80000047;
	s26 =	sshrl.u32 s1, $0x1;
	s0 =	sadd.s32 s5, s0  }
0xe: {  	s1 =	ssub.s32 s1, s26;
	s26 =	simm.s32 $0x2;
	s6 =	sshrl.u32 s6, $0x3  }
0xf: {  	s5 =	sadd.s32 $0x800, s0;
	s7 =	smax.u32 s1, $0x1;
	s4 =	sadd.s32 s4, s6  }
0x10: {  	s1 =	simm.s32 $0x7;
	s0 =	simm.s32 $0x8;
	s6 =	sadd.s32 $0x680, s4  }
.LBB2_1:
0x11: {  	[tilespmem:s3], [sflag:$0x9] =	stream.linear.gather [hbm4b:s5+s3], $0x2000, $0x38;
	[tilespmem:$0x1C000] =	vst v63  }
0x12: {  	_ =	swait.ge [sflag:s8], $0x2000  }
0x13: {  	[sflag:s8] =	ssyncset.done $0x0  }
0x14: {  	[sflag:s8] =	ssyncadd.s32 $0xFFFFE000  }
0x15: {  	[tilespmem:s10], [sflag:$0x1] =	stream.indirect.gather [hbm4b:s2+s9], $0x80, s3, s9, $0xb8;
	[tilespmem:$0x1C000] =	vst v63  }
0x16: {  	s13 =	simm.s32 $0x80  }
0x17: {  	[tilespmem:s12], [sflag:$0x2] =	stream.indirect.gather [hbm4b:s2+s9], $0x80, s13, s9, $0xb8;
	[tilespmem:$0x1C000] =	vst v63  }
0x18: {  	s15 =	simm.s32 $0x100  }
0x19: {  	[tilespmem:s14], [sflag:$0x3] =	stream.indirect.gather [hbm4b:s2+s9], $0x80, s15, s9, $0xb8;
	[tilespmem:$0x1C000] =	vst v63  }
0x1a: {  	s17 =	simm.s32 $0x180  }
0x1b: {  	[tilespmem:s16], [sflag:$0x4] =	stream.indirect.gather [hbm4b:s2+s9], $0x80, s17, s9, $0xb8;
	[tilespmem:$0x1C000] =	vst v63  }
0x1c: {  	s15 =	simm.s32 $0x200  }
0x1d: {  	[tilespmem:s18], [sflag:$0x5] =	stream.indirect.gather [hbm4b:s2+s9], $0x80, s15, s9, $0xb8;
	[tilespmem:$0x1C000] =	vst v63  }
0x1e: {  	_ = 	snop  }
0x1f: {  	[tilespmem:s20], [sflag:$0x6] =	stream.indirect.gather [hbm4b:s2+s9], $0x80, s19, s9, $0xb8;
	[tilespmem:$0x1C000] =	vst v63  }
0x20: {  	_ = 	snop  }
0x21: {  	[tilespmem:s22], [sflag:$0x7] =	stream.indirect.gather [hbm4b:s2+s9], $0x80, s21, s9, $0xb8;
	[tilespmem:$0x1C000] =	vst v63  }
0x22: {  	_ = 	snop  }
0x23: {  	[tilespmem:s24], [sflag:$0x8] =	stream.indirect.gather [hbm4b:s2+s9], $0x80, s23, s9, $0xb8;
	[tilespmem:$0x1C000] =	vst v63  }
0x24: {  	_ =	swait.ge [sflag:s25], $0x3200  }
0x25: {  	[sflag:s25] =	ssyncset.done $0x0  }
0x26: {  	s17 =	simm.s32 $0x400;
	[sflag:s25] =	ssyncadd.s32 $0xFFFFCE00  }
0x27: {  	[tilespmem:s10], [sflag:$0x1] =	stream.indirect.gather.add.f32 [hbm:s2], $0x80, s17, s9, $0xb8;
	[tilespmem:$0x1C000] =	vst v63  }
0x28: {  	_ =	swait.ge [sflag:s26], $0x3200  }
0x29: {  	[sflag:s26] =	ssyncset.done $0x0  }
0x2a: {  	s15 =	simm.s32 $0x480;
	[sflag:s26] =	ssyncadd.s32 $0xFFFFCE00  }
0x2b: {  	[tilespmem:s12], [sflag:$0x2] =	stream.indirect.gather.add.f32 [hbm:s2], $0x80, s15, s9, $0xb8;
	[tilespmem:$0x1C000] =	vst v63  }
0x2c: {  	_ =	swait.ge [sflag:s28], $0x3200  }
0x2d: {  	[sflag:s28] =	ssyncset.done $0x0  }
0x2e: {  	s17 =	simm.s32 $0x500;
	[sflag:s28] =	ssyncadd.s32 $0xFFFFCE00  }
0x2f: {  	[tilespmem:s14], [sflag:$0x3] =	stream.indirect.gather.add.f32 [hbm:s2], $0x80, s17, s9, $0xb8;
	[tilespmem:$0x1C000] =	vst v63  }
0x30: {  	_ =	swait.ge [sflag:s29], $0x3200  }
0x31: {  	[sflag:s29] =	ssyncset.done $0x0  }
0x32: {  	s15 =	simm.s32 $0x580;
	[sflag:s29] =	ssyncadd.s32 $0xFFFFCE00  }
0x33: {  	[tilespmem:s16], [sflag:$0x4] =	stream.indirect.gather.add.f32 [hbm:s2], $0x80, s15, s9, $0xb8;
	[tilespmem:$0x1C000] =	vst v63  }
0x34: {  	_ =	swait.ge [sflag:s30], $0x3200  }
0x35: {  	[sflag:s30] =	ssyncset.done $0x0  }
0x36: {  	s17 =	simm.s32 $0x600;
	[sflag:s30] =	ssyncadd.s32 $0xFFFFCE00  }
0x37: {  	[tilespmem:s18], [sflag:$0x5] =	stream.indirect.gather.add.f32 [hbm:s2], $0x80, s17, s9, $0xb8;
	[tilespmem:$0x1C000] =	vst v63  }
0x38: {  	_ =	swait.ge [sflag:s31], $0x3200  }
0x39: {  	[sflag:s31] =	ssyncset.done $0x0  }
0x3a: {  	s15 =	simm.s32 $0x680;
	[sflag:s31] =	ssyncadd.s32 $0xFFFFCE00  }
0x3b: {  	[tilespmem:s20], [sflag:$0x6] =	stream.indirect.gather.add.f32 [hbm:s2], $0x80, s15, s9, $0xb8;
	[tilespmem:$0x1C000] =	vst v63  }
0x3c: {  	_ =	swait.ge [sflag:s1], $0x3200  }
0x3d: {  	[sflag:s1] =	ssyncset.done $0x0  }
0x3e: {  	s17 =	simm.s32 $0x700;
	[sflag:s1] =	ssyncadd.s32 $0xFFFFCE00  }
0x3f: {  	[tilespmem:s22], [sflag:$0x7] =	stream.indirect.gather.add.f32 [hbm:s2], $0x80, s17, s9, $0xb8;
	[tilespmem:$0x1C000] =	vst v63  }
0x40: {  	_ =	swait.ge [sflag:s0], $0x3200  }
0x41: {  	[sflag:s0] =	ssyncset.done $0x0  }
0x42: {  	s13 =	simm.s32 $0x1000;
	s15 =	simm.s32 $0x780;
	[sflag:s0] =	ssyncadd.s32 $0xFFFFCE00  }
.LBB2_2:
0x43: {  	[tilespmem:s24], [sflag:$0x8] =	stream.indirect.gather.add.f32 [hbm:s2], $0x80, s15, s9, $0xb8;
	[tilespmem:$0x1C000] =	vst v63  }
0x44: {  	s15 =	smov.u32 s13  }
0x45: {  	p0 =	sne.s32 s13, $0x6000;
	s13 =	sadd.s32 $0x1000, s13;
	_ =	swait.ge [sflag:s25], $0x3200  }
0x46: {  	s15 =	sshra.s32 s15, $0x2;
	[sflag:s25] =	ssyncset.done $0x0  }
0x47: {  	s17 =	sadd.s32 $0x400, s15;
	[sflag:s25] =	ssyncadd.s32 $0xFFFFCE00  }
0x48: {  	[tilespmem:s10], [sflag:$0x1] =	stream.indirect.gather.add.f32 [hbm:s2], $0x80, s17, s9, $0xb8;
	[tilespmem:$0x1C000] =	vst v63  }
0x49: {  	_ =	swait.ge [sflag:s26], $0x3200  }
0x4a: {  	[sflag:s26] =	ssyncset.done $0x0  }
0x4b: {  	s17 =	sadd.s32 $0x480, s15;
	[sflag:s26] =	ssyncadd.s32 $0xFFFFCE00  }
0x4c: {  	[tilespmem:s12], [sflag:$0x2] =	stream.indirect.gather.add.f32 [hbm:s2], $0x80, s17, s9, $0xb8;
	[tilespmem:$0x1C000] =	vst v63  }
0x4d: {  	_ =	swait.ge [sflag:s28], $0x3200  }
0x4e: {  	[sflag:s28] =	ssyncset.done $0x0  }
0x4f: {  	s17 =	sadd.s32 $0x500, s15;
	[sflag:s28] =	ssyncadd.s32 $0xFFFFCE00  }
0x50: {  	[tilespmem:s14], [sflag:$0x3] =	stream.indirect.gather.add.f32 [hbm:s2], $0x80, s17, s9, $0xb8;
	[tilespmem:$0x1C000] =	vst v63  }
0x51: {  	_ =	swait.ge [sflag:s29], $0x3200  }
0x52: {  	[sflag:s29] =	ssyncset.done $0x0  }
0x53: {  	s17 =	sadd.s32 $0x580, s15;
	[sflag:s29] =	ssyncadd.s32 $0xFFFFCE00  }
0x54: {  	[tilespmem:s16], [sflag:$0x4] =	stream.indirect.gather.add.f32 [hbm:s2], $0x80, s17, s9, $0xb8;
	[tilespmem:$0x1C000] =	vst v63  }
0x55: {  	_ =	swait.ge [sflag:s30], $0x3200  }
0x56: {  	[sflag:s30] =	ssyncset.done $0x0  }
0x57: {  	s17 =	sadd.s32 $0x600, s15;
	[sflag:s30] =	ssyncadd.s32 $0xFFFFCE00  }
0x58: {  	[tilespmem:s18], [sflag:$0x5] =	stream.indirect.gather.add.f32 [hbm:s2], $0x80, s17, s9, $0xb8;
	[tilespmem:$0x1C000] =	vst v63  }
0x59: {  	_ =	swait.ge [sflag:s31], $0x3200  }
0x5a: {  	[sflag:s31] =	ssyncset.done $0x0  }
0x5b: {  	s17 =	sadd.s32 $0x680, s15;
	[sflag:s31] =	ssyncadd.s32 $0xFFFFCE00  }
0x5c: {  	[tilespmem:s20], [sflag:$0x6] =	stream.indirect.gather.add.f32 [hbm:s2], $0x80, s17, s9, $0xb8;
	[tilespmem:$0x1C000] =	vst v63  }
0x5d: {  	_ =	swait.ge [sflag:s1], $0x3200  }
0x5e: {  	[sflag:s1] =	ssyncset.done $0x0  }
.Ltmp0:
0x5f: {  	s17 =	sadd.s32 $0x700, s15;
	[sflag:s1] =	ssyncadd.s32 $0xFFFFCE00;
	(pc) =	sbr.rel @p0 .LBB2_2-.Ltmp0, $4  }
0x60: {  	[tilespmem:s22], [sflag:$0x7] =	stream.indirect.gather.add.f32 [hbm:s2], $0x80, s17, s9, $0xb8;
	[tilespmem:$0x1C000] =	vst v63  }
0x61: {  	_ =	swait.ge [sflag:s0], $0x3200  }
0x62: {  	[sflag:s0] =	ssyncset.done $0x0  }
0x63: {  	s15 =	sadd.s32 $0x780, s15;
	[sflag:s0] =	ssyncadd.s32 $0xFFFFCE00  }
0x64: {  	[tilespmem:s24], [sflag:$0x8] =	stream.indirect.gather.add.f32 [hbm:s2], $0x80, s15, s9, $0xb8;
	[tilespmem:$0x1C000] =	vst v63  }
0x65: {  	_ =	swait.ge [sflag:s25], $0x3200  }
0x66: {  	[sflag:s25] =	ssyncset.done $0x0  }
0x67: {  	[sflag:s25] =	ssyncadd.s32 $0xFFFFCE00  }
0x68: {  	_ =	swait.ge [sflag:s26], $0x3200  }
0x69: {  	[sflag:s26] =	ssyncset.done $0x0  }
0x6a: {  	[sflag:s26] =	ssyncadd.s32 $0xFFFFCE00  }
0x6b: {  	_ =	swait.ge [sflag:s28], $0x3200  }
0x6c: {  	[sflag:s28] =	ssyncset.done $0x0  }
0x6d: {  	[sflag:s28] =	ssyncadd.s32 $0xFFFFCE00  }
0x6e: {  	_ =	swait.ge [sflag:s29], $0x3200  }
0x6f: {  	[sflag:s29] =	ssyncset.done $0x0  }
0x70: {  	[sflag:s29] =	ssyncadd.s32 $0xFFFFCE00  }
0x71: {  	_ =	swait.ge [sflag:s30], $0x3200  }
0x72: {  	[sflag:s30] =	ssyncset.done $0x0  }
0x73: {  	[sflag:s30] =	ssyncadd.s32 $0xFFFFCE00  }
0x74: {  	_ =	swait.ge [sflag:s31], $0x3200  }
0x75: {  	[sflag:s31] =	ssyncset.done $0x0  }
0x76: {  	[sflag:s31] =	ssyncadd.s32 $0xFFFFCE00  }
0x77: {  	_ =	swait.ge [sflag:s1], $0x3200  }
0x78: {  	[sflag:s1] =	ssyncset.done $0x0  }
0x79: {  	[sflag:s1] =	ssyncadd.s32 $0xFFFFCE00  }
0x7a: {  	_ =	swait.ge [sflag:s0], $0x3200  }
0x7b: {  	[sflag:s0] =	ssyncset.done $0x0  }
0x7c: {  	s13 =	simm.s32 $0x0;
	[sflag:s0] =	ssyncadd.s32 $0xFFFFCE00  }
.LBB2_4:
0x7d: {  	s15 =	sshll.u32 s13, $0x7  }
0x7e: {  	v0 =	vld [tilespmem:s15+$0x8800]  }
0x7f: {  	v1 =	vld [tilespmem:s15+$0xBC00]  }
0x80: {  	v45 =	vld [tilespmem:s15+$0xF000]  }
0x81: {  	v46 =	vld [tilespmem:s15+$0x12400]  }
0x82: {  	v2 =	vld [tilespmem:s15+$0x15800]  }
0x83: {  	v3 =	vld [tilespmem:s15+$0x18C00]  }
0x84: {  	v4 =	vld [tilespmem:s15+$0x8810]  }
0x85: {  	v47 =	vld [tilespmem:s15+$0xBC10]  }
0x86: {  	v48 =	vld [tilespmem:s15+$0xF010]  }
0x87: {  	v49 =	vld [tilespmem:s15+$0x12410]  }
0x88: {  	v50 =	vld [tilespmem:s15+$0x15810]  }
0x89: {  	v51 =	vld [tilespmem:s15+$0x18C10]  }
0x8a: {  	v52 =	vld [tilespmem:s15+$0x8820]  }
0x8b: {  	v53 =	vld [tilespmem:s15+$0xBC20]  }
0x8c: {  	v54 =	vld [tilespmem:s15+$0xF020]  }
0x8d: {  	v55 =	vld [tilespmem:s15+$0x12420]  }
0x8e: {  	v56 =	vld [tilespmem:s15+$0x15820]  }
0x8f: {  	v57 =	vld [tilespmem:s15+$0x18C20]  }
0x90: {  	v58 =	vld [tilespmem:s15+$0x8830]  }
0x91: {  	v59 =	vld [tilespmem:s15+$0xBC30]  }
0x92: {  	v60 =	vld [tilespmem:s15+$0xF030]  }
0x93: {  	v61 =	vld [tilespmem:s15+$0x12430]  }
0x94: {  	v62 =	vld [tilespmem:s15+$0x15830]  }
0x95: {  	v63 =	vld [tilespmem:s15+$0x18C30]  }
0x96: {  	v8 =	vld [tilespmem:s15+$0x8840]  }
0x97: {  	v9 =	vld [tilespmem:s15+$0xBC40]  }
0x98: {  	v10 =	vld [tilespmem:s15+$0xF040]  }
0x99: {  	v11 =	vld [tilespmem:s15+$0x12440]  }
0x9a: {  	v12 =	vld [tilespmem:s15+$0x15840]  }
0x9b: {  	v13 =	vld [tilespmem:s15+$0x18C40]  }
0x9c: {  	v14 =	vld [tilespmem:s15+$0x8850]  }
0x9d: {  	v15 =	vld [tilespmem:s15+$0xBC50]  }
0x9e: {  	v16 =	vld [tilespmem:s15+$0xF050]  }
0x9f: {  	v17 =	vld [tilespmem:s15+$0x12450]  }
0xa0: {  	v18 =	vld [tilespmem:s15+$0x15850]  }
0xa1: {  	v19 =	vld [tilespmem:s15+$0x18C50]  }
0xa2: {  	v20 =	vld [tilespmem:s15+$0x8860]  }
0xa3: {  	v21 =	vld [tilespmem:s15+$0xBC60]  }
0xa4: {  	v22 =	vld [tilespmem:s15+$0xF060]  }
0xa5: {  	v23 =	vld [tilespmem:s15+$0x12460]  }
0xa6: {  	v24 =	vld [tilespmem:s15+$0x15860]  }
0xa7: {  	v25 =	vld [tilespmem:s15+$0x18C60]  }
0xa8: {  	v26 =	vld [tilespmem:s15+$0x8870]  }
0xa9: {  	v27 =	vld [tilespmem:s15+$0xBC70]  }
0xaa: {  	v28 =	vld [tilespmem:s15+$0xF070]  }
0xab: {  	v29 =	vld [tilespmem:s15+$0x12470]  }
0xac: {  	v30 =	vld [tilespmem:s15+$0x15870]  }
0xad: {  	v31 =	vld [tilespmem:s15+$0x18C70]  }
0xae: {  	v32 =	vld [tilespmem:s15+$0x8880]  }
0xaf: {  	v33 =	vld [tilespmem:s15+$0xBC80]  }
0xb0: {  	v34 =	vld [tilespmem:s15+$0xF080]  }
0xb1: {  	v35 =	vld [tilespmem:s15+$0x12480]  }
0xb2: {  	v36 =	vld [tilespmem:s15+$0x15880]  }
0xb3: {  	v37 =	vld [tilespmem:s15+$0x18C80]  }
0xb4: {  	v38 =	vld [tilespmem:s15+$0x8890]  }
0xb5: {  	v39 =	vld [tilespmem:s15+$0xBC90]  }
0xb6: {  	v40 =	vld [tilespmem:s15+$0xF090]  }
0xb7: {  	v41 =	vld [tilespmem:s15+$0x12490]  }
0xb8: {  	v42 =	vld [tilespmem:s15+$0x15890]  }
0xb9: {  	v43 =	vld [tilespmem:s15+$0x18C90]  }
0xba: {  	v44 =	vld [tilespmem:s15+$0x88A0]  }
0xbb: {  	[tilespmem:s15+$0x2000] =	vst.add.f32.msk $0xffff, v0  }
0xbc: {  	[tilespmem:s15+$0x5400] =	vst.add.f32.msk $0xffff, v1  }
0xbd: {  	[tilespmem:s15+$0x2010] =	vst.add.f32.msk $0xffff, v4  }
0xbe: {  	[tilespmem:s15+$0x5410] =	vst.add.f32.msk $0xffff, v47  }
0xbf: {  	[tilespmem:s15+$0x2020] =	vst.add.f32.msk $0xffff, v52  }
0xc0: {  	[tilespmem:s15+$0x5420] =	vst.add.f32.msk $0xffff, v53  }
0xc1: {  	[tilespmem:s15+$0x2030] =	vst.add.f32.msk $0xffff, v58  }
0xc2: {  	[tilespmem:s15+$0x5430] =	vst.add.f32.msk $0xffff, v59  }
0xc3: {  	[tilespmem:s15+$0x2040] =	vst.add.f32.msk $0xffff, v8  }
0xc4: {  	[tilespmem:s15+$0x5440] =	vst.add.f32.msk $0xffff, v9  }
0xc5: {  	[tilespmem:s15+$0x2050] =	vst.add.f32.msk $0xffff, v14  }
0xc6: {  	[tilespmem:s15+$0x5450] =	vst.add.f32.msk $0xffff, v15  }
0xc7: {  	[tilespmem:s15+$0x2060] =	vst.add.f32.msk $0xffff, v20  }
0xc8: {  	[tilespmem:s15+$0x5460] =	vst.add.f32.msk $0xffff, v21  }
0xc9: {  	[tilespmem:s15+$0x2070] =	vst.add.f32.msk $0xffff, v26  }
0xca: {  	[tilespmem:s15+$0x5470] =	vst.add.f32.msk $0xffff, v27  }
0xcb: {  	[tilespmem:s15+$0x2080] =	vst.add.f32.msk $0xffff, v32  }
0xcc: {  	[tilespmem:s15+$0x5480] =	vst.add.f32.msk $0xffff, v33  }
0xcd: {  	[tilespmem:s15+$0x2090] =	vst.add.f32.msk $0xffff, v38  }
0xce: {  	[tilespmem:s15+$0x5490] =	vst.add.f32.msk $0xffff, v39  }
0xcf: {  	[tilespmem:s15+$0x20A0] =	vst.add.f32.msk $0xffff, v44  }
0xd0: {  	v47 =	vld [tilespmem:s15+$0x124A0]  }
0xd1: {  	v52 =	vld [tilespmem:s15+$0xF0B0]  }
0xd2: {  	v53 =	vld [tilespmem:s15+$0x124B0]  }
0xd3: {  	v58 =	vld [tilespmem:s15+$0xF0C0]  }
0xd4: {  	v59 =	vld [tilespmem:s15+$0x124C0]  }
0xd5: {  	v8 =	vld [tilespmem:s15+$0xF0D0]  }
0xd6: {  	v9 =	vld [tilespmem:s15+$0x124D0]  }
0xd7: {  	v14 =	vld [tilespmem:s15+$0xF0E0]  }
0xd8: {  	v15 =	vld [tilespmem:s15+$0x124E0]  }
0xd9: {  	v20 =	vld [tilespmem:s15+$0xF0F0]  }
0xda: {  	v21 =	vld [tilespmem:s15+$0x124F0]  }
0xdb: {  	v26 =	vld [tilespmem:s15+$0xF100]  }
0xdc: {  	v27 =	vld [tilespmem:s15+$0x12500]  }
0xdd: {  	v32 =	vld [tilespmem:s15+$0xF110]  }
0xde: {  	v33 =	vld [tilespmem:s15+$0x12510]  }
0xdf: {  	v38 =	vld [tilespmem:s15+$0xF120]  }
0xe0: {  	v39 =	vld [tilespmem:s15+$0x12520]  }
0xe1: {  	v44 =	vld [tilespmem:s15+$0xF130]  }
0xe2: {  	[tilespmem:s15+$0x2000] =	vst.add.f32.msk $0xffff, v45  }
0xe3: {  	[tilespmem:s15+$0x5400] =	vst.add.f32.msk $0xffff, v46  }
0xe4: {  	[tilespmem:s15+$0x2010] =	vst.add.f32.msk $0xffff, v48  }
0xe5: {  	[tilespmem:s15+$0x5410] =	vst.add.f32.msk $0xffff, v49  }
0xe6: {  	[tilespmem:s15+$0x2020] =	vst.add.f32.msk $0xffff, v54  }
0xe7: {  	[tilespmem:s15+$0x5420] =	vst.add.f32.msk $0xffff, v55  }
0xe8: {  	[tilespmem:s15+$0x2030] =	vst.add.f32.msk $0xffff, v60  }
0xe9: {  	[tilespmem:s15+$0x5430] =	vst.add.f32.msk $0xffff, v61  }
0xea: {  	[tilespmem:s15+$0x2040] =	vst.add.f32.msk $0xffff, v10  }
0xeb: {  	[tilespmem:s15+$0x5440] =	vst.add.f32.msk $0xffff, v11  }
0xec: {  	[tilespmem:s15+$0x2050] =	vst.add.f32.msk $0xffff, v16  }
0xed: {  	[tilespmem:s15+$0x5450] =	vst.add.f32.msk $0xffff, v17  }
0xee: {  	[tilespmem:s15+$0x2060] =	vst.add.f32.msk $0xffff, v22  }
0xef: {  	[tilespmem:s15+$0x5460] =	vst.add.f32.msk $0xffff, v23  }
0xf0: {  	[tilespmem:s15+$0x2070] =	vst.add.f32.msk $0xffff, v28  }
0xf1: {  	[tilespmem:s15+$0x5470] =	vst.add.f32.msk $0xffff, v29  }
0xf2: {  	[tilespmem:s15+$0x2080] =	vst.add.f32.msk $0xffff, v34  }
0xf3: {  	[tilespmem:s15+$0x5480] =	vst.add.f32.msk $0xffff, v35  }
0xf4: {  	[tilespmem:s15+$0x2090] =	vst.add.f32.msk $0xffff, v40  }
0xf5: {  	v45 =	vld [tilespmem:s15+$0xBCA0]  }
0xf6: {  	[tilespmem:s15+$0x5490] =	vst.add.f32.msk $0xffff, v41  }
0xf7: {  	v46 =	vld [tilespmem:s15+$0xF0A0]  }
0xf8: {  	v48 =	vld [tilespmem:s15+$0x158A0]  }
0xf9: {  	v49 =	vld [tilespmem:s15+$0x18CA0]  }
0xfa: {  	v54 =	vld [tilespmem:s15+$0x158B0]  }
0xfb: {  	v55 =	vld [tilespmem:s15+$0x18CB0]  }
0xfc: {  	v60 =	vld [tilespmem:s15+$0x158C0]  }
0xfd: {  	v61 =	vld [tilespmem:s15+$0x18CC0]  }
0xfe: {  	v10 =	vld [tilespmem:s15+$0x158D0]  }
0xff: {  	v11 =	vld [tilespmem:s15+$0x18CD0]  }
0x100: {  	v16 =	vld [tilespmem:s15+$0x158E0]  }
0x101: {  	v17 =	vld [tilespmem:s15+$0x18CE0]  }
0x102: {  	v22 =	vld [tilespmem:s15+$0x158F0]  }
0x103: {  	v23 =	vld [tilespmem:s15+$0x18CF0]  }
0x104: {  	v28 =	vld [tilespmem:s15+$0x15900]  }
0x105: {  	v29 =	vld [tilespmem:s15+$0x18D00]  }
0x106: {  	v34 =	vld [tilespmem:s15+$0x15910]  }
0x107: {  	v35 =	vld [tilespmem:s15+$0x18D10]  }
0x108: {  	v40 =	vld [tilespmem:s15+$0x15920]  }
0x109: {  	v41 =	vld [tilespmem:s15+$0x18D20]  }
0x10a: {  	[tilespmem:s15+$0x2000] =	vst.add.f32.msk $0xffff, v2  }
0x10b: {  	[tilespmem:s15+$0x5400] =	vst.add.f32.msk $0xffff, v3  }
0x10c: {  	[tilespmem:s15+$0x2010] =	vst.add.f32.msk $0xffff, v50  }
0x10d: {  	[tilespmem:s15+$0x5410] =	vst.add.f32.msk $0xffff, v51  }
0x10e: {  	[tilespmem:s15+$0x2020] =	vst.add.f32.msk $0xffff, v56  }
0x10f: {  	[tilespmem:s15+$0x5420] =	vst.add.f32.msk $0xffff, v57  }
0x110: {  	[tilespmem:s15+$0x2030] =	vst.add.f32.msk $0xffff, v62  }
0x111: {  	[tilespmem:s15+$0x5430] =	vst.add.f32.msk $0xffff, v63  }
0x112: {  	[tilespmem:s15+$0x2040] =	vst.add.f32.msk $0xffff, v12  }
0x113: {  	[tilespmem:s15+$0x5440] =	vst.add.f32.msk $0xffff, v13  }
0x114: {  	[tilespmem:s15+$0x2050] =	vst.add.f32.msk $0xffff, v18  }
0x115: {  	[tilespmem:s15+$0x5450] =	vst.add.f32.msk $0xffff, v19  }
0x116: {  	[tilespmem:s15+$0x2060] =	vst.add.f32.msk $0xffff, v24  }
0x117: {  	[tilespmem:s15+$0x5460] =	vst.add.f32.msk $0xffff, v25  }
0x118: {  	[tilespmem:s15+$0x2070] =	vst.add.f32.msk $0xffff, v30  }
0x119: {  	[tilespmem:s15+$0x5470] =	vst.add.f32.msk $0xffff, v31  }
0x11a: {  	[tilespmem:s15+$0x2080] =	vst.add.f32.msk $0xffff, v36  }
0x11b: {  	[tilespmem:s15+$0x5480] =	vst.add.f32.msk $0xffff, v37  }
0x11c: {  	[tilespmem:s15+$0x2090] =	vst.add.f32.msk $0xffff, v42  }
0x11d: {  	[tilespmem:s15+$0x5490] =	vst.add.f32.msk $0xffff, v43  }
0x11e: {  	v50 =	vld [tilespmem:s15+$0x88B0]  }
0x11f: {  	v51 =	vld [tilespmem:s15+$0xBCB0]  }
0x120: {  	v56 =	vld [tilespmem:s15+$0x88C0]  }
0x121: {  	v57 =	vld [tilespmem:s15+$0xBCC0]  }
0x122: {  	v62 =	vld [tilespmem:s15+$0x88D0]  }
0x123: {  	v63 =	vld [tilespmem:s15+$0xBCD0]  }
0x124: {  	v12 =	vld [tilespmem:s15+$0x88E0]  }
0x125: {  	v13 =	vld [tilespmem:s15+$0xBCE0]  }
0x126: {  	v18 =	vld [tilespmem:s15+$0x88F0]  }
0x127: {  	v19 =	vld [tilespmem:s15+$0xBCF0]  }
0x128: {  	v24 =	vld [tilespmem:s15+$0x8900]  }
0x129: {  	v25 =	vld [tilespmem:s15+$0xBD00]  }
0x12a: {  	v30 =	vld [tilespmem:s15+$0x8910]  }
0x12b: {  	v31 =	vld [tilespmem:s15+$0xBD10]  }
0x12c: {  	v36 =	vld [tilespmem:s15+$0x8920]  }
0x12d: {  	v37 =	vld [tilespmem:s15+$0xBD20]  }
0x12e: {  	v42 =	vld [tilespmem:s15+$0x8930]  }
0x12f: {  	v43 =	vld [tilespmem:s15+$0xBD30]  }
0x130: {  	[tilespmem:s15+$0x54A0] =	vst.add.f32.msk $0xffff, v45  }
0x131: {  	[tilespmem:s15+$0x20A0] =	vst.add.f32.msk $0xffff, v46  }
0x132: {  	v45 =	vld [tilespmem:s15+$0x12530]  }
0x133: {  	v46 =	vld [tilespmem:s15+$0x15930]  }
0x134: {  	[tilespmem:s15+$0x54A0] =	vst.add.f32.msk $0xffff, v47  }
0x135: {  	[tilespmem:s15+$0x20A0] =	vst.add.f32.msk $0xffff, v48  }
0x136: {  	[tilespmem:s15+$0x20B0] =	vst.add.f32.msk $0xffff, v50  }
0x137: {  	[tilespmem:s15+$0x54B0] =	vst.add.f32.msk $0xffff, v51  }
0x138: {  	[tilespmem:s15+$0x20C0] =	vst.add.f32.msk $0xffff, v56  }
0x139: {  	[tilespmem:s15+$0x54C0] =	vst.add.f32.msk $0xffff, v57  }
0x13a: {  	[tilespmem:s15+$0x20D0] =	vst.add.f32.msk $0xffff, v62  }
0x13b: {  	[tilespmem:s15+$0x54D0] =	vst.add.f32.msk $0xffff, v63  }
0x13c: {  	[tilespmem:s15+$0x20E0] =	vst.add.f32.msk $0xffff, v12  }
0x13d: {  	[tilespmem:s15+$0x54E0] =	vst.add.f32.msk $0xffff, v13  }
0x13e: {  	[tilespmem:s15+$0x20F0] =	vst.add.f32.msk $0xffff, v18  }
0x13f: {  	[tilespmem:s15+$0x54F0] =	vst.add.f32.msk $0xffff, v19  }
0x140: {  	[tilespmem:s15+$0x2100] =	vst.add.f32.msk $0xffff, v24  }
0x141: {  	[tilespmem:s15+$0x5500] =	vst.add.f32.msk $0xffff, v25  }
0x142: {  	[tilespmem:s15+$0x2110] =	vst.add.f32.msk $0xffff, v30  }
0x143: {  	[tilespmem:s15+$0x5510] =	vst.add.f32.msk $0xffff, v31  }
0x144: {  	[tilespmem:s15+$0x2120] =	vst.add.f32.msk $0xffff, v36  }
0x145: {  	[tilespmem:s15+$0x5520] =	vst.add.f32.msk $0xffff, v37  }
0x146: {  	[tilespmem:s15+$0x2130] =	vst.add.f32.msk $0xffff, v42  }
0x147: {  	[tilespmem:s15+$0x5530] =	vst.add.f32.msk $0xffff, v43  }
0x148: {  	v47 =	vld [tilespmem:s15+$0x18D30]  }
0x149: {  	v48 =	vld [tilespmem:s15+$0x8940]  }
0x14a: {  	v50 =	vld [tilespmem:s15+$0xF140]  }
0x14b: {  	v51 =	vld [tilespmem:s15+$0x12540]  }
0x14c: {  	v56 =	vld [tilespmem:s15+$0xF150]  }
0x14d: {  	v57 =	vld [tilespmem:s15+$0x12550]  }
0x14e: {  	v62 =	vld [tilespmem:s15+$0xF160]  }
0x14f: {  	v63 =	vld [tilespmem:s15+$0x12560]  }
0x150: {  	v12 =	vld [tilespmem:s15+$0xF170]  }
0x151: {  	v13 =	vld [tilespmem:s15+$0x12570]  }
0x152: {  	v18 =	vld [tilespmem:s15+$0xF180]  }
0x153: {  	v19 =	vld [tilespmem:s15+$0x12580]  }
0x154: {  	v24 =	vld [tilespmem:s15+$0xF190]  }
0x155: {  	v25 =	vld [tilespmem:s15+$0x12590]  }
0x156: {  	v30 =	vld [tilespmem:s15+$0xF1A0]  }
0x157: {  	v31 =	vld [tilespmem:s15+$0x125A0]  }
0x158: {  	v36 =	vld [tilespmem:s15+$0xF1B0]  }
0x159: {  	v37 =	vld [tilespmem:s15+$0x125B0]  }
0x15a: {  	v42 =	vld [tilespmem:s15+$0xF1C0]  }
0x15b: {  	v43 =	vld [tilespmem:s15+$0x125C0]  }
0x15c: {  	[tilespmem:s15+$0x54A0] =	vst.add.f32.msk $0xffff, v49  }
0x15d: {  	[tilespmem:s15+$0x20B0] =	vst.add.f32.msk $0xffff, v52  }
0x15e: {  	[tilespmem:s15+$0x54B0] =	vst.add.f32.msk $0xffff, v53  }
0x15f: {  	[tilespmem:s15+$0x20C0] =	vst.add.f32.msk $0xffff, v58  }
0x160: {  	[tilespmem:s15+$0x54C0] =	vst.add.f32.msk $0xffff, v59  }
0x161: {  	[tilespmem:s15+$0x20D0] =	vst.add.f32.msk $0xffff, v8  }
0x162: {  	[tilespmem:s15+$0x54D0] =	vst.add.f32.msk $0xffff, v9  }
0x163: {  	[tilespmem:s15+$0x20E0] =	vst.add.f32.msk $0xffff, v14  }
0x164: {  	[tilespmem:s15+$0x54E0] =	vst.add.f32.msk $0xffff, v15  }
0x165: {  	[tilespmem:s15+$0x20F0] =	vst.add.f32.msk $0xffff, v20  }
0x166: {  	[tilespmem:s15+$0x54F0] =	vst.add.f32.msk $0xffff, v21  }
0x167: {  	[tilespmem:s15+$0x2100] =	vst.add.f32.msk $0xffff, v26  }
0x168: {  	[tilespmem:s15+$0x5500] =	vst.add.f32.msk $0xffff, v27  }
0x169: {  	[tilespmem:s15+$0x2110] =	vst.add.f32.msk $0xffff, v32  }
0x16a: {  	[tilespmem:s15+$0x5510] =	vst.add.f32.msk $0xffff, v33  }
0x16b: {  	[tilespmem:s15+$0x2120] =	vst.add.f32.msk $0xffff, v38  }
0x16c: {  	[tilespmem:s15+$0x5520] =	vst.add.f32.msk $0xffff, v39  }
0x16d: {  	[tilespmem:s15+$0x2130] =	vst.add.f32.msk $0xffff, v44  }
0x16e: {  	v49 =	vld [tilespmem:s15+$0xBD40]  }
0x16f: {  	v52 =	vld [tilespmem:s15+$0x15940]  }
0x170: {  	v53 =	vld [tilespmem:s15+$0x18D40]  }
0x171: {  	v58 =	vld [tilespmem:s15+$0x15950]  }
0x172: {  	v59 =	vld [tilespmem:s15+$0x18D50]  }
0x173: {  	v8 =	vld [tilespmem:s15+$0x15960]  }
0x174: {  	v9 =	vld [tilespmem:s15+$0x18D60]  }
0x175: {  	v14 =	vld [tilespmem:s15+$0x15970]  }
0x176: {  	v15 =	vld [tilespmem:s15+$0x18D70]  }
0x177: {  	v20 =	vld [tilespmem:s15+$0x15980]  }
0x178: {  	v21 =	vld [tilespmem:s15+$0x18D80]  }
0x179: {  	v26 =	vld [tilespmem:s15+$0x15990]  }
0x17a: {  	v27 =	vld [tilespmem:s15+$0x18D90]  }
0x17b: {  	v32 =	vld [tilespmem:s15+$0x159A0]  }
0x17c: {  	v33 =	vld [tilespmem:s15+$0x18DA0]  }
0x17d: {  	v38 =	vld [tilespmem:s15+$0x159B0]  }
0x17e: {  	v39 =	vld [tilespmem:s15+$0x18DB0]  }
0x17f: {  	v44 =	vld [tilespmem:s15+$0x159C0]  }
0x180: {  	[tilespmem:s15+$0x20B0] =	vst.add.f32.msk $0xffff, v54  }
0x181: {  	[tilespmem:s15+$0x54B0] =	vst.add.f32.msk $0xffff, v55  }
0x182: {  	[tilespmem:s15+$0x20C0] =	vst.add.f32.msk $0xffff, v60  }
0x183: {  	[tilespmem:s15+$0x54C0] =	vst.add.f32.msk $0xffff, v61  }
0x184: {  	[tilespmem:s15+$0x20D0] =	vst.add.f32.msk $0xffff, v10  }
0x185: {  	[tilespmem:s15+$0x54D0] =	vst.add.f32.msk $0xffff, v11  }
0x186: {  	[tilespmem:s15+$0x20E0] =	vst.add.f32.msk $0xffff, v16  }
0x187: {  	[tilespmem:s15+$0x54E0] =	vst.add.f32.msk $0xffff, v17  }
0x188: {  	[tilespmem:s15+$0x20F0] =	vst.add.f32.msk $0xffff, v22  }
0x189: {  	[tilespmem:s15+$0x54F0] =	vst.add.f32.msk $0xffff, v23  }
0x18a: {  	[tilespmem:s15+$0x2100] =	vst.add.f32.msk $0xffff, v28  }
0x18b: {  	[tilespmem:s15+$0x5500] =	vst.add.f32.msk $0xffff, v29  }
0x18c: {  	[tilespmem:s15+$0x2110] =	vst.add.f32.msk $0xffff, v34  }
0x18d: {  	[tilespmem:s15+$0x5510] =	vst.add.f32.msk $0xffff, v35  }
0x18e: {  	[tilespmem:s15+$0x2120] =	vst.add.f32.msk $0xffff, v40  }
0x18f: {  	[tilespmem:s15+$0x5520] =	vst.add.f32.msk $0xffff, v41  }
0x190: {  	v54 =	vld [tilespmem:s15+$0x8950]  }
0x191: {  	v55 =	vld [tilespmem:s15+$0xBD50]  }
0x192: {  	v60 =	vld [tilespmem:s15+$0x8960]  }
0x193: {  	v61 =	vld [tilespmem:s15+$0xBD60]  }
0x194: {  	v10 =	vld [tilespmem:s15+$0x8970]  }
0x195: {  	v11 =	vld [tilespmem:s15+$0xBD70]  }
0x196: {  	v16 =	vld [tilespmem:s15+$0x8980]  }
0x197: {  	v17 =	vld [tilespmem:s15+$0xBD80]  }
0x198: {  	v22 =	vld [tilespmem:s15+$0x8990]  }
0x199: {  	v23 =	vld [tilespmem:s15+$0xBD90]  }
0x19a: {  	v28 =	vld [tilespmem:s15+$0x89A0]  }
0x19b: {  	v29 =	vld [tilespmem:s15+$0xBDA0]  }
0x19c: {  	v34 =	vld [tilespmem:s15+$0x89B0]  }
0x19d: {  	v35 =	vld [tilespmem:s15+$0xBDB0]  }
0x19e: {  	v40 =	vld [tilespmem:s15+$0x89C0]  }
0x19f: {  	v41 =	vld [tilespmem:s15+$0xBDC0]  }
0x1a0: {  	[tilespmem:s15+$0x5530] =	vst.add.f32.msk $0xffff, v45  }
0x1a1: {  	[tilespmem:s15+$0x2130] =	vst.add.f32.msk $0xffff, v46  }
0x1a2: {  	v45 =	vld [tilespmem:s15+$0x18DC0]  }
0x1a3: {  	v46 =	vld [tilespmem:s15+$0x89D0]  }
0x1a4: {  	[tilespmem:s15+$0x5530] =	vst.add.f32.msk $0xffff, v47  }
0x1a5: {  	[tilespmem:s15+$0x2140] =	vst.add.f32.msk $0xffff, v48  }
0x1a6: {  	v47 =	vld [tilespmem:s15+$0xBDD0]  }
0x1a7: {  	v48 =	vld [tilespmem:s15+$0xF1D0]  }
0x1a8: {  	[tilespmem:s15+$0x5540] =	vst.add.f32.msk $0xffff, v49  }
0x1a9: {  	[tilespmem:s15+$0x2140] =	vst.add.f32.msk $0xffff, v50  }
0x1aa: {  	v49 =	vld [tilespmem:s15+$0x125D0]  }
0x1ab: {  	v50 =	vld [tilespmem:s15+$0x159D0]  }
0x1ac: {  	[tilespmem:s15+$0x5540] =	vst.add.f32.msk $0xffff, v51  }
0x1ad: {  	[tilespmem:s15+$0x2140] =	vst.add.f32.msk $0xffff, v52  }
0x1ae: {  	[tilespmem:s15+$0x2150] =	vst.add.f32.msk $0xffff, v54  }
0x1af: {  	[tilespmem:s15+$0x5550] =	vst.add.f32.msk $0xffff, v55  }
0x1b0: {  	[tilespmem:s15+$0x2160] =	vst.add.f32.msk $0xffff, v60  }
0x1b1: {  	[tilespmem:s15+$0x5560] =	vst.add.f32.msk $0xffff, v61  }
0x1b2: {  	[tilespmem:s15+$0x2170] =	vst.add.f32.msk $0xffff, v10  }
0x1b3: {  	[tilespmem:s15+$0x5570] =	vst.add.f32.msk $0xffff, v11  }
0x1b4: {  	[tilespmem:s15+$0x2180] =	vst.add.f32.msk $0xffff, v16  }
0x1b5: {  	[tilespmem:s15+$0x5580] =	vst.add.f32.msk $0xffff, v17  }
0x1b6: {  	[tilespmem:s15+$0x2190] =	vst.add.f32.msk $0xffff, v22  }
0x1b7: {  	[tilespmem:s15+$0x5590] =	vst.add.f32.msk $0xffff, v23  }
0x1b8: {  	[tilespmem:s15+$0x21A0] =	vst.add.f32.msk $0xffff, v28  }
0x1b9: {  	[tilespmem:s15+$0x55A0] =	vst.add.f32.msk $0xffff, v29  }
0x1ba: {  	[tilespmem:s15+$0x21B0] =	vst.add.f32.msk $0xffff, v34  }
0x1bb: {  	[tilespmem:s15+$0x55B0] =	vst.add.f32.msk $0xffff, v35  }
0x1bc: {  	[tilespmem:s15+$0x21C0] =	vst.add.f32.msk $0xffff, v40  }
0x1bd: {  	[tilespmem:s15+$0x55C0] =	vst.add.f32.msk $0xffff, v41  }
0x1be: {  	v51 =	vld [tilespmem:s15+$0x18DD0]  }
0x1bf: {  	v52 =	vld [tilespmem:s15+$0x89E0]  }
0x1c0: {  	v54 =	vld [tilespmem:s15+$0xF1E0]  }
0x1c1: {  	v55 =	vld [tilespmem:s15+$0x125E0]  }
0x1c2: {  	v60 =	vld [tilespmem:s15+$0xF1F0]  }
0x1c3: {  	v61 =	vld [tilespmem:s15+$0x125F0]  }
0x1c4: {  	[tilespmem:s15+$0x5540] =	vst.add.f32.msk $0xffff, v53  }
0x1c5: {  	[tilespmem:s15+$0x2150] =	vst.add.f32.msk $0xffff, v56  }
0x1c6: {  	[tilespmem:s15+$0x5550] =	vst.add.f32.msk $0xffff, v57  }
0x1c7: {  	[tilespmem:s15+$0x2160] =	vst.add.f32.msk $0xffff, v62  }
0x1c8: {  	[tilespmem:s15+$0x5560] =	vst.add.f32.msk $0xffff, v63  }
0x1c9: {  	[tilespmem:s15+$0x2170] =	vst.add.f32.msk $0xffff, v12  }
0x1ca: {  	[tilespmem:s15+$0x5570] =	vst.add.f32.msk $0xffff, v13  }
0x1cb: {  	[tilespmem:s15+$0x2180] =	vst.add.f32.msk $0xffff, v18  }
0x1cc: {  	[tilespmem:s15+$0x5580] =	vst.add.f32.msk $0xffff, v19  }
0x1cd: {  	[tilespmem:s15+$0x2190] =	vst.add.f32.msk $0xffff, v24  }
0x1ce: {  	[tilespmem:s15+$0x5590] =	vst.add.f32.msk $0xffff, v25  }
0x1cf: {  	[tilespmem:s15+$0x21A0] =	vst.add.f32.msk $0xffff, v30  }
0x1d0: {  	[tilespmem:s15+$0x55A0] =	vst.add.f32.msk $0xffff, v31  }
0x1d1: {  	[tilespmem:s15+$0x21B0] =	vst.add.f32.msk $0xffff, v36  }
0x1d2: {  	[tilespmem:s15+$0x55B0] =	vst.add.f32.msk $0xffff, v37  }
0x1d3: {  	[tilespmem:s15+$0x21C0] =	vst.add.f32.msk $0xffff, v42  }
0x1d4: {  	[tilespmem:s15+$0x55C0] =	vst.add.f32.msk $0xffff, v43  }
0x1d5: {  	v53 =	vld [tilespmem:s15+$0xBDE0]  }
0x1d6: {  	v56 =	vld [tilespmem:s15+$0x159E0]  }
0x1d7: {  	v57 =	vld [tilespmem:s15+$0x18DE0]  }
0x1d8: {  	v62 =	vld [tilespmem:s15+$0x159F0]  }
0x1d9: {  	v63 =	vld [tilespmem:s15+$0x18DF0]  }
0x1da: {  	[tilespmem:s15+$0x2150] =	vst.add.f32.msk $0xffff, v58  }
0x1db: {  	[tilespmem:s15+$0x5550] =	vst.add.f32.msk $0xffff, v59  }
0x1dc: {  	[tilespmem:s15+$0x2160] =	vst.add.f32.msk $0xffff, v8  }
0x1dd: {  	[tilespmem:s15+$0x5560] =	vst.add.f32.msk $0xffff, v9  }
0x1de: {  	[tilespmem:s15+$0x2170] =	vst.add.f32.msk $0xffff, v14  }
0x1df: {  	[tilespmem:s15+$0x5570] =	vst.add.f32.msk $0xffff, v15  }
0x1e0: {  	[tilespmem:s15+$0x2180] =	vst.add.f32.msk $0xffff, v20  }
0x1e1: {  	[tilespmem:s15+$0x5580] =	vst.add.f32.msk $0xffff, v21  }
0x1e2: {  	[tilespmem:s15+$0x2190] =	vst.add.f32.msk $0xffff, v26  }
0x1e3: {  	[tilespmem:s15+$0x5590] =	vst.add.f32.msk $0xffff, v27  }
0x1e4: {  	[tilespmem:s15+$0x21A0] =	vst.add.f32.msk $0xffff, v32  }
0x1e5: {  	[tilespmem:s15+$0x55A0] =	vst.add.f32.msk $0xffff, v33  }
0x1e6: {  	[tilespmem:s15+$0x21B0] =	vst.add.f32.msk $0xffff, v38  }
0x1e7: {  	[tilespmem:s15+$0x55B0] =	vst.add.f32.msk $0xffff, v39  }
0x1e8: {  	[tilespmem:s15+$0x21C0] =	vst.add.f32.msk $0xffff, v44  }
0x1e9: {  	[tilespmem:s15+$0x55C0] =	vst.add.f32.msk $0xffff, v45  }
0x1ea: {  	[tilespmem:s15+$0x21D0] =	vst.add.f32.msk $0xffff, v46  }
0x1eb: {  	v58 =	vld [tilespmem:s15+$0x89F0]  }
0x1ec: {  	v59 =	vld [tilespmem:s15+$0xBDF0]  }
0x1ed: {  	[tilespmem:s15+$0x55D0] =	vst.add.f32.msk $0xffff, v47  }
0x1ee: {  	[tilespmem:s15+$0x21D0] =	vst.add.f32.msk $0xffff, v48  }
0x1ef: {  	[tilespmem:s15+$0x55D0] =	vst.add.f32.msk $0xffff, v49  }
0x1f0: {  	[tilespmem:s15+$0x21D0] =	vst.add.f32.msk $0xffff, v50  }
0x1f1: {  	[tilespmem:s15+$0x55D0] =	vst.add.f32.msk $0xffff, v51  }
0x1f2: {  	[tilespmem:s15+$0x21E0] =	vst.add.f32.msk $0xffff, v52  }
0x1f3: {  	[tilespmem:s15+$0x55E0] =	vst.add.f32.msk $0xffff, v53  }
0x1f4: {  	[tilespmem:s15+$0x21E0] =	vst.add.f32.msk $0xffff, v54  }
0x1f5: {  	[tilespmem:s15+$0x55E0] =	vst.add.f32.msk $0xffff, v55  }
0x1f6: {  	[tilespmem:s15+$0x21E0] =	vst.add.f32.msk $0xffff, v56  }
0x1f7: {  	[tilespmem:s15+$0x21F0] =	vst.add.f32.msk $0xffff, v58  }
0x1f8: {  	p0 =	slt.u32 s13, $0x60;
	[tilespmem:s15+$0x55F0] =	vst.add.f32.msk $0xffff, v59  }
.Ltmp1:
0x1f9: {  	[tilespmem:s15+$0x55E0] =	vst.add.f32.msk $0xffff, v57;
	(pc) =	sbr.rel @p0 .LBB2_4-.Ltmp1, $4  }
0x1fa: {  	[tilespmem:s15+$0x21F0] =	vst.add.f32.msk $0xffff, v60  }
0x1fb: {  	[tilespmem:s15+$0x55F0] =	vst.add.f32.msk $0xffff, v61  }
0x1fc: {  	[tilespmem:s15+$0x21F0] =	vst.add.f32.msk $0xffff, v62  }
0x1fd: {  	s13 =	sadd.s32 $0x4, s13;
	[tilespmem:s15+$0x55F0] =	vst.add.f32.msk $0xffff, v63  }
0x1fe: {  	[hbm4b:s4+s3] =	stream.linear.scatter [tilespmem:s10], [sflag:$0x9], $0x3200, $0x38;
	[tilespmem:$0x1C000] =	vst v63  }
0x1ff: {  	s11 =	sadd.s32 $0x1, s11;
	_ =	swait.ge [sflag:s8], $0x3200  }
0x200: {  	p0 =	sne.s32 s11, s7;
	[sflag:s8] =	ssyncset.done $0x0  }
.Ltmp2:
0x201: {  	[sflag:s8] =	ssyncadd.s32 $0xFFFFCE00;
	(pc) =	sbr.rel @p0 .LBB2_1-.Ltmp2, $4  }
0x202: {  	[hbm4b:s6+s3] =	stream.linear.scatter [tilespmem:s12], [sflag:$0x9], $0x3200, $0x38;
	[tilespmem:$0x1C000] =	vst v63  }
0x203: {  	_ =	swait.ge [sflag:s8], $0x3200  }
0x204: {  	[sflag:s8] =	ssyncset.done $0x0  }
0x205: {  	[sflag:s8] =	ssyncadd.s32 $0xFFFFCE00  }
0x206: {  	_ =	sfence.sel $0x180000  }
0x207: {  	[bflag:$0x0] =	sbarrier.arrive $0xFFFF  }
0x208: {  	_ =	strace $0x90000047  }
0x209: {  	s0 =	stileid.u32;
	[bflag:$0x2] =	sbarrier.arrive $0xFFFF  }
0x20a: {  	p0 =	sne.s32 s0, $0x0;
	s0 =	rddreg [dreg:$0x3]  }
0x20b: {  	s0 =	sadd.s32 @!p0 $0x100000, s0  }
0x20c: {  	[sflag:s0] =	ssyncadd.tile.s32 @!p0 $0x1;
	_ =	shalt  }
.Lfunc_end2:
_tile_overlayer_lowered:
.L_overlay_start_2:
0x20d: {  	(tag) =	ssettag $0x2  }
0x20e: {  	s0 =	rddreg [dreg:$0x0];
	s2 =	stileid.u32  }
0x20f: {  	s1 =	rddreg [dreg:$0x1];
	p0 =	sne.s32 s2, $0x0  }
0x210: {  	s3 =	rddreg [dreg:$0x2];
	[bflag:$0x3] =	sbarrier.arrive $0xFFFF;
	s2 =	simm.s32 @!p0 $0x1C09  }
0x211: {  	[timem:s3], [sflag:s2] =	dma.local @!p0 [hbm:s0], s1  }
0x212: {  	s0 =	simm.s32 @!p0 $0x9  }
0x213: {  	_ =	swait.ge @!p0 [sflag:s0], s1  }
0x214: {  	s1 =	ssub.s32 @!p0 $0x0, s1;
	[sflag:s0] =	ssyncset.done @!p0 $0x0  }
0x215: {  	[sflag:s0] =	ssyncadd.s32 @!p0 s1  }
0x216: {  	[bflag:$0x3] =	sbarrier.arrive $0xFFFF  }
0x217: {  	_ =	shalt  }

</sc_bundles>
